<compile_context>
chip_gen: v7x
topology: tpu7x:2x2x1
jax: 0.10.2.dev20260603
libtpu: 0.0.44.dev20260713+nightly
codegen_flags: <defaults>
</compile_context>

<pallas_src>
import jax
import jax.numpy as jnp
from jax import lax
from jax.experimental import pallas as pl
from jax.experimental.pallas import tpu as pltpu
from jax.experimental.pallas import tpu_sc as plsc

N_NODES = 10000
D = 128
N_EDGES = 320000

NC = 2
NS = 16
CH = 120
SLAB = 6
SLABS = 28
CPT = SLAB * SLABS

N_PAD = 10112
ROWS_PER_TILE = N_PAD // NS
DUMMY_SLO = N_NODES

E_ALL = 2 * N_EDGES
E_PAD = NC * NS * CPT * CH


def _sc_body(fea_hbm, idx_hbm, zeros_hbm, part_hbm,
             acc_sh, idx_v, rows_v, gsem, isem, ssem):
    c = lax.axis_index("c")
    s = lax.axis_index("s")
    w = c * NS + s
    chunk0 = w * CPT

    def load_slab_async(p, buf):
        pltpu.async_copy(idx_hbm.at[pl.ds(chunk0 + p * SLAB, SLAB)],
                         idx_v.at[buf], isem[buf])

    def wait_slab(buf):
        pltpu.make_async_copy(idx_hbm.at[pl.ds(chunk0, SLAB)],
                              idx_v.at[buf], isem[buf]).wait()

    def gather_async(sp, q, b):
        pltpu.async_copy(fea_hbm.at[idx_v.at[sp, q, 0]], rows_v.at[b],
                         gsem[b])

    def wait_gather(b):
        pltpu.make_async_copy(fea_hbm.at[idx_v.at[0, 0, 0]], rows_v.at[b],
                              gsem[b]).wait()

    def scatter_async(sp, q, b):
        pltpu.async_copy(rows_v.at[b], acc_sh.at[idx_v.at[sp, q, 1]],
                         ssem[b], add=True)

    def wait_scatter(b):
        pltpu.make_async_copy(rows_v.at[b], acc_sh.at[idx_v.at[0, 0, 1]],
                              ssem[b]).wait()

    load_slab_async(0, 0)
    load_slab_async(1, 1)
    row0 = s * ROWS_PER_TILE
    pltpu.sync_copy(zeros_hbm.at[pl.ds(row0, ROWS_PER_TILE)],
                    acc_sh.at[pl.ds(row0, ROWS_PER_TILE)])
    plsc.subcore_barrier()
    wait_slab(0)
    gather_async(0, 0, 0)
    gather_async(0, 1, 1)

    def outer(P, carry):
        for sp in (0, 1):
            p = 2 * P + sp

            def inner(q, b, bn):
                wait_gather(b)
                scatter_async(sp, q, b)
                if q == 0:
                    @pl.when(p > 0)
                    def _():
                        wait_scatter(bn)

                    @pl.when((p >= 1) & (p < SLABS - 1))
                    def _():
                        load_slab_async(p + 1, 1 - sp)
                else:
                    wait_scatter(bn)
                if q < SLAB - 2:
                    gather_async(sp, q + 2, bn)
                elif q == SLAB - 2:
                    @pl.when(p < SLABS - 1)
                    def _():
                        wait_slab(1 - sp)
                        gather_async(1 - sp, 0, bn)
                else:
                    @pl.when(p < SLABS - 1)
                    def _():
                        gather_async(1 - sp, 1, bn)

            for q in range(SLAB):
                inner(q, q % 3, (q + 2) % 3)
        return carry

    lax.fori_loop(0, SLABS // 2, outer, 0)
    wait_scatter((SLAB * SLABS - 1) % 3)
    plsc.subcore_barrier()

    pltpu.sync_copy(acc_sh.at[pl.ds(row0, ROWS_PER_TILE)],
                    part_hbm.at[c, pl.ds(row0, ROWS_PER_TILE)])


def _sc_scatter(fea_pad, idx3d, zeros):
    mesh = plsc.VectorSubcoreMesh(core_axis_name="c", subcore_axis_name="s")
    return pl.kernel(
        _sc_body,
        out_type=jax.ShapeDtypeStruct((NC, N_PAD, D), jnp.float32),
        mesh=mesh,
        scratch_types=[
            pltpu.VMEM_SHARED((N_PAD, D), jnp.float32),
            pltpu.VMEM((2, SLAB, 2, CH), jnp.int32),
            pltpu.VMEM((3, CH, D), jnp.float32),
            [pltpu.SemaphoreType.DMA] * 3,
            [pltpu.SemaphoreType.DMA] * 2,
            [pltpu.SemaphoreType.DMA] * 3,
        ],
    )(fea_pad, idx3d, zeros)


BLK = 2000


def _tc_self_body(fea_ref, ws_ref, bias_ref, out_ref):
    out_ref[...] = (
        jnp.dot(fea_ref[...], ws_ref[...], preferred_element_type=jnp.float32)
        + bias_ref[...]
    )


def _tc_self(fea, ws_t, bias):
    grid = (N_NODES // BLK,)
    return pl.pallas_call(
        _tc_self_body,
        grid=grid,
        in_specs=[
            pl.BlockSpec((BLK, D), lambda i: (i, 0)),
            pl.BlockSpec((D, D), lambda i: (0, 0)),
            pl.BlockSpec((1, D), lambda i: (0, 0)),
        ],
        out_specs=pl.BlockSpec((BLK, D), lambda i: (i, 0)),
        out_shape=jax.ShapeDtypeStruct((N_NODES, D), jnp.float32),
    )(fea, ws_t, bias)


def _tc_nei_body(self_ref, parts_ref, wn_ref, out_ref):
    nei = parts_ref[0] + parts_ref[1]
    out_ref[...] = self_ref[...] + jnp.dot(
        nei, wn_ref[...], preferred_element_type=jnp.float32)


def _tc_nei(self_out, parts, wn_t):
    grid = (N_NODES // BLK,)
    return pl.pallas_call(
        _tc_nei_body,
        grid=grid,
        in_specs=[
            pl.BlockSpec((BLK, D), lambda i: (i, 0)),
            pl.BlockSpec((NC, BLK, D), lambda i: (0, i, 0)),
            pl.BlockSpec((D, D), lambda i: (0, 0)),
        ],
        out_specs=pl.BlockSpec((BLK, D), lambda i: (i, 0)),
        out_shape=jax.ShapeDtypeStruct((N_NODES, D), jnp.float32),
    )(self_out, parts, wn_t)


def kernel(curr_fea, edge_index, W_self, b_self, W_neig, b_neig):
    src = edge_index[0].astype(jnp.int32)
    dst = edge_index[1].astype(jnp.int32)
    n_fill = E_PAD - E_ALL
    lane = jnp.arange(n_fill, dtype=jnp.int32) % 112
    gidx = jnp.concatenate([src, dst, lane]).reshape(-1, CH)
    sidx = jnp.concatenate([dst, src, DUMMY_SLO + lane]).reshape(-1, CH)
    idx3d = jnp.stack([gidx, sidx], axis=1)
    zeros = jnp.zeros((N_PAD, D), jnp.float32)

    parts = _sc_scatter(curr_fea, idx3d, zeros)

    bias = (b_self + b_neig).reshape(1, D)
    self_out = _tc_self(curr_fea, W_self.T, bias)
    return _tc_nei(self_out, parts, W_neig.T)

# --- scband reference (transcript-rebuilt; emitter-appended) ---
"""Pipeline reference for scband-mpnn-nk-56229711839360 (READ-ONLY COPY).

The authoritative reference and input builder live on the scoring server;
editing this copy changes nothing except your own understanding.
"""

import jax, jax.numpy as jnp
import numpy as np

N_NODES = 10000
N_EDGES = 320000
D_IN = 128
D_OUT = 128

def setup_inputs(seed: int = 0) -> dict:
    key = jax.random.key(seed)
    k1, k2, k3, k4, k5, k6 = jax.random.split(key, 6)
    curr_fea = jax.random.normal(k1, (N_NODES, D_IN), dtype=jnp.float32)
    edge_index = jax.random.randint(k2, (2, N_EDGES), 0, N_NODES, dtype=jnp.int64)
    bound = 1.0 / np.sqrt(D_IN)
    W_self = jax.random.uniform(k3, (D_OUT, D_IN), minval=-bound, maxval=bound, dtype=jnp.float32)
    b_self = jax.random.uniform(k4, (D_OUT,), minval=-bound, maxval=bound, dtype=jnp.float32)
    W_neig = jax.random.uniform(k5, (D_OUT, D_IN), minval=-bound, maxval=bound, dtype=jnp.float32)
    b_neig = jax.random.uniform(k6, (D_OUT,), minval=-bound, maxval=bound, dtype=jnp.float32)
    return {"curr_fea": curr_fea, "edge_index": edge_index, "W_self": W_self, "b_self": b_self, "W_neig": W_neig, "b_neig": b_neig}

def reference(curr_fea, edge_index, W_self, b_self, W_neig, b_neig):
    num_nodes, dimension = curr_fea.shape
    src = edge_index[0]
    dst = edge_index[1]
    src_all = jnp.concatenate([src, dst], axis=0)
    dst_all = jnp.concatenate([dst, src], axis=0)
    gathered = jnp.take(curr_fea, src_all, axis=0)
    nei_sum = jnp.zeros((num_nodes, dimension), dtype=curr_fea.dtype).at[dst_all].add(gathered)
    out_fea = curr_fea @ W_self.T + b_self + nei_sum @ W_neig.T + b_neig
    return out_fea

if __name__ == "__main__":
    import jax
    _d = setup_inputs()
    print(jax.jit(kernel)(*tuple(_d.values())))

</pallas_src>

<mosaic_0001>
#map = affine_map<(d0, d1) -> (0, 0)>
#map1 = affine_map<(d0, d1) -> (0, 0, 0)>
module attributes {stable_mosaic.version = 14 : i64} {
  func.func @_sc_body(%arg0: i32, %arg1: i32, %arg2: memref<10000x128xf32, #tpu.memory_space<hbm>>, %arg3: memref<5376x2x120xi32, #tpu.memory_space<hbm>>, %arg4: memref<10112x128xf32, #tpu.memory_space<hbm>>, %arg5: memref<2x10112x128xf32, #tpu.memory_space<hbm>>, %arg6: memref<10112x128xf32, #tpu.memory_space<vmem_shared>>, %arg7: memref<2x6x2x120xi32, #tpu.memory_space<vmem>>, %arg8: memref<3x120x128xf32, #tpu.memory_space<vmem>>, %arg9: memref<!tpu.dma_semaphore, #tpu.memory_space<semaphore_mem>>, %arg10: memref<!tpu.dma_semaphore, #tpu.memory_space<semaphore_mem>>, %arg11: memref<!tpu.dma_semaphore, #tpu.memory_space<semaphore_mem>>, %arg12: memref<!tpu.dma_semaphore, #tpu.memory_space<semaphore_mem>>, %arg13: memref<!tpu.dma_semaphore, #tpu.memory_space<semaphore_mem>>, %arg14: memref<!tpu.dma_semaphore, #tpu.memory_space<semaphore_mem>>, %arg15: memref<!tpu.dma_semaphore, #tpu.memory_space<semaphore_mem>>, %arg16: memref<!tpu.dma_semaphore, #tpu.memory_space<semaphore_mem>>) attributes {dimension_semantics = [#tpu.dimension_semantics<core_parallel>, #tpu.dimension_semantics<subcore_parallel>], iteration_bounds = array<i64: 2, 16>, scalar_prefetch = 0 : i64, scratch_operands = 11 : i64, tpu.core_type = #tpu.core_type<sc_vector_subcore>, window_params = [{transform_indices = #map}, {transform_indices = #map1}, {transform_indices = #map}, {transform_indices = #map1}]} {
    %mul3A = arith.constant 16 : i32
    %mul3A_0 = arith.muli %arg0, %mul3A : i32
    %add3A = arith.addi %mul3A_0, %arg1 : i32
    %mul3A_1 = arith.constant 168 : i32
    %mul3A_2 = arith.muli %add3A, %mul3A_1 : i32
    %add3A_3 = arith.constant 0 : i32
    %add3A_4 = arith.addi %mul3A_2, %add3A_3 : i32
    %dma_start3A = arith.constant 0 : i32
    %dma_start3A_5 = arith.constant 0 : i32
    %dma_start3A_6 = arith.constant 0 : i32
    %dma_start3A_7 = arith.constant 0 : i32
    %dma_start3A_8 = tpu.memref_slice %arg7[%dma_start3A, %dma_start3A_5, %dma_start3A_6, %dma_start3A_7] : memref<2x6x2x120xi32, #tpu.memory_space<vmem>> -> memref<1x6x2x120xi32, #tpu.memory_space<vmem>>
    %dma_start3A_9 = tpu.memref_squeeze %dma_start3A_8 : memref<1x6x2x120xi32, #tpu.memory_space<vmem>> -> memref<6x2x120xi32, #tpu.memory_space<vmem>>
    %dma_start3A_10 = arith.constant 0 : i32
    %dma_start3A_11 = arith.constant 0 : i32
    %dma_start3A_12 = tpu.memref_slice %arg3[%add3A_4, %dma_start3A_10, %dma_start3A_11] : memref<5376x2x120xi32, #tpu.memory_space<hbm>> -> memref<6x2x120xi32, #tpu.memory_space<hbm>>
    %dma_start3A_13 = arith.constant 0 : i32
    %dma_start3A_14 = arith.constant 0 : i32
    %dma_start3A_15 = arith.constant 0 : i32
    %dma_start3A_16 = tpu.memref_slice %arg7[%dma_start3A, %dma_start3A_13, %dma_start3A_14, %dma_start3A_15] : memref<2x6x2x120xi32, #tpu.memory_space<vmem>> -> memref<1x6x2x120xi32, #tpu.memory_space<vmem>>
    %dma_start3A_17 = tpu.memref_squeeze %dma_start3A_16 : memref<1x6x2x120xi32, #tpu.memory_space<vmem>> -> memref<6x2x120xi32, #tpu.memory_space<vmem>>
    %dma_start3A_18 = arith.constant 0 : i32
    %dma_start3A_19 = arith.constant 0 : i32
    %dma_start3A_20 = tpu.memref_slice %arg3[%add3A_4, %dma_start3A_18, %dma_start3A_19] : memref<5376x2x120xi32, #tpu.memory_space<hbm>> -> memref<6x2x120xi32, #tpu.memory_space<hbm>>
    tpu.enqueue_dma source(%dma_start3A_20 : memref<6x2x120xi32, #tpu.memory_space<hbm>>) target(%dma_start3A_17 : memref<6x2x120xi32, #tpu.memory_space<vmem>>) target_semaphore(%arg12 : memref<!tpu.dma_semaphore, #tpu.memory_space<semaphore_mem>>)
    %add3A_21 = arith.constant 6 : i32
    %add3A_22 = arith.addi %mul3A_2, %add3A_21 : i32
    %dma_start3A_23 = arith.constant 1 : i32
    %dma_start3A_24 = arith.constant 0 : i32
    %dma_start3A_25 = arith.constant 0 : i32
    %dma_start3A_26 = arith.constant 0 : i32
    %dma_start3A_27 = tpu.memref_slice %arg7[%dma_start3A_23, %dma_start3A_24, %dma_start3A_25, %dma_start3A_26] : memref<2x6x2x120xi32, #tpu.memory_space<vmem>> -> memref<1x6x2x120xi32, #tpu.memory_space<vmem>>
    %dma_start3A_28 = tpu.memref_squeeze %dma_start3A_27 : memref<1x6x2x120xi32, #tpu.memory_space<vmem>> -> memref<6x2x120xi32, #tpu.memory_space<vmem>>
    %dma_start3A_29 = arith.constant 0 : i32
    %dma_start3A_30 = arith.constant 0 : i32
    %dma_start3A_31 = tpu.memref_slice %arg3[%add3A_22, %dma_start3A_29, %dma_start3A_30] : memref<5376x2x120xi32, #tpu.memory_space<hbm>> -> memref<6x2x120xi32, #tpu.memory_space<hbm>>
    %dma_start3A_32 = arith.constant 0 : i32
    %dma_start3A_33 = arith.constant 0 : i32
    %dma_start3A_34 = arith.constant 0 : i32
    %dma_start3A_35 = tpu.memref_slice %arg7[%dma_start3A_23, %dma_start3A_32, %dma_start3A_33, %dma_start3A_34] : memref<2x6x2x120xi32, #tpu.memory_space<vmem>> -> memref<1x6x2x120xi32, #tpu.memory_space<vmem>>
    %dma_start3A_36 = tpu.memref_squeeze %dma_start3A_35 : memref<1x6x2x120xi32, #tpu.memory_space<vmem>> -> memref<6x2x120xi32, #tpu.memory_space<vmem>>
    %dma_start3A_37 = arith.constant 0 : i32
    %dma_start3A_38 = arith.constant 0 : i32
    %dma_start3A_39 = tpu.memref_slice %arg3[%add3A_22, %dma_start3A_37, %dma_start3A_38] : memref<5376x2x120xi32, #tpu.memory_space<hbm>> -> memref<6x2x120xi32, #tpu.memory_space<hbm>>
    tpu.enqueue_dma source(%dma_start3A_39 : memref<6x2x120xi32, #tpu.memory_space<hbm>>) target(%dma_start3A_36 : memref<6x2x120xi32, #tpu.memory_space<vmem>>) target_semaphore(%arg13 : memref<!tpu.dma_semaphore, #tpu.memory_space<semaphore_mem>>)
    %mul3A_40 = arith.constant 632 : i32
    %mul3A_41 = arith.muli %arg1, %mul3A_40 : i32
    "tpu.region"() ({
      %run_scoped3A = tpu.sem_alloc : memref<!tpu.dma_semaphore, #tpu.memory_space<semaphore_mem>>
      %dma_start3A_106 = arith.constant 0 : i32
      %dma_start3A_107 = tpu.memref_slice %arg6[%mul3A_41, %dma_start3A_106] : memref<10112x128xf32, #tpu.memory_space<vmem_shared>> -> memref<632x128xf32, #tpu.memory_space<vmem_shared>>
      %dma_start3A_108 = arith.constant 0 : i32
      %dma_start3A_109 = tpu.memref_slice %arg4[%mul3A_41, %dma_start3A_108] : memref<10112x128xf32, #tpu.memory_space<hbm>> -> memref<632x128xf32, #tpu.memory_space<hbm>>
      tpu.enqueue_dma source(%dma_start3A_109 : memref<632x128xf32, #tpu.memory_space<hbm>>) target(%dma_start3A_107 : memref<632x128xf32, #tpu.memory_space<vmem_shared>>) target_semaphore(%run_scoped3A : memref<!tpu.dma_semaphore, #tpu.memory_space<semaphore_mem>>)
      %dma_wait3A_110 = arith.constant 0 : i32
      %dma_wait3A_111 = tpu.memref_slice %arg6[%mul3A_41, %dma_wait3A_110] : memref<10112x128xf32, #tpu.memory_space<vmem_shared>> -> memref<632x128xf32, #tpu.memory_space<vmem_shared>>
      %dma_wait3A_112 = arith.constant 0 : i32
      %dma_wait3A_113 = tpu.memref_slice %arg4[%mul3A_41, %dma_wait3A_112] : memref<10112x128xf32, #tpu.memory_space<hbm>> -> memref<632x128xf32, #tpu.memory_space<hbm>>
      tpu.wait_dma2 semaphore(%run_scoped3A : memref<!tpu.dma_semaphore, #tpu.memory_space<semaphore_mem>>) src(%dma_wait3A_113 : memref<632x128xf32, #tpu.memory_space<hbm>>) dst(%dma_wait3A_111 : memref<632x128xf32, #tpu.memory_space<vmem_shared>>)
      tpu.yield
    }) : () -> ()
    %barrier3A = arith.constant 0 : index
    tpu.barrier barrier_id(%barrier3A)
    %dma_wait3A = arith.constant 0 : i32
    %dma_wait3A_42 = arith.constant 0 : i32
    %dma_wait3A_43 = arith.constant 0 : i32
    %dma_wait3A_44 = arith.constant 0 : i32
    %dma_wait3A_45 = tpu.memref_slice %arg7[%dma_wait3A, %dma_wait3A_42, %dma_wait3A_43, %dma_wait3A_44] : memref<2x6x2x120xi32, #tpu.memory_space<vmem>> -> memref<1x6x2x120xi32, #tpu.memory_space<vmem>>
    %dma_wait3A_46 = tpu.memref_squeeze %dma_wait3A_45 : memref<1x6x2x120xi32, #tpu.memory_space<vmem>> -> memref<6x2x120xi32, #tpu.memory_space<vmem>>
    %dma_wait3A_47 = arith.constant 0 : i32
    %dma_wait3A_48 = arith.constant 0 : i32
    %dma_wait3A_49 = tpu.memref_slice %arg3[%mul3A_2, %dma_wait3A_47, %dma_wait3A_48] : memref<5376x2x120xi32, #tpu.memory_space<hbm>> -> memref<6x2x120xi32, #tpu.memory_space<hbm>>
    %dma_wait3A_50 = arith.constant 0 : i32
    %dma_wait3A_51 = arith.constant 0 : i32
    %dma_wait3A_52 = arith.constant 0 : i32
    %dma_wait3A_53 = tpu.memref_slice %arg7[%dma_wait3A, %dma_wait3A_50, %dma_wait3A_51, %dma_wait3A_52] : memref<2x6x2x120xi32, #tpu.memory_space<vmem>> -> memref<1x6x2x120xi32, #tpu.memory_space<vmem>>
    %dma_wait3A_54 = tpu.memref_squeeze %dma_wait3A_53 : memref<1x6x2x120xi32, #tpu.memory_space<vmem>> -> memref<6x2x120xi32, #tpu.memory_space<vmem>>
    %dma_wait3A_55 = arith.constant 0 : i32
    %dma_wait3A_56 = arith.constant 0 : i32
    %dma_wait3A_57 = tpu.memref_slice %arg3[%mul3A_2, %dma_wait3A_55, %dma_wait3A_56] : memref<5376x2x120xi32, #tpu.memory_space<hbm>> -> memref<6x2x120xi32, #tpu.memory_space<hbm>>
    tpu.wait_dma2 semaphore(%arg12 : memref<!tpu.dma_semaphore, #tpu.memory_space<semaphore_mem>>) src(%dma_wait3A_57 : memref<6x2x120xi32, #tpu.memory_space<hbm>>) dst(%dma_wait3A_54 : memref<6x2x120xi32, #tpu.memory_space<vmem>>)
    %dma_start3A_58 = arith.constant 0 : i32
    %dma_start3A_59 = arith.constant 0 : i32
    %dma_start3A_60 = arith.constant 0 : i32
    %dma_start3A_61 = arith.constant 0 : i32
    %dma_start3A_62 = arith.constant 0 : i32
    %dma_start3A_63 = arith.constant 0 : i32
    %dma_start3A_64 = tpu.memref_slice %arg8[%dma_start3A_61, %dma_start3A_62, %dma_start3A_63] : memref<3x120x128xf32, #tpu.memory_space<vmem>> -> memref<1x120x128xf32, #tpu.memory_space<vmem>>
    %dma_start3A_65 = tpu.memref_squeeze %dma_start3A_64 : memref<1x120x128xf32, #tpu.memory_space<vmem>> -> memref<120x128xf32, #tpu.memory_space<vmem>>
    %dma_start3A_66 = arith.constant 0 : i32
    %dma_start3A_67 = tpu.memref_slice %arg7[%dma_start3A_58, %dma_start3A_59, %dma_start3A_60, %dma_start3A_66] : memref<2x6x2x120xi32, #tpu.memory_space<vmem>> -> memref<1x1x1x120xi32, #tpu.memory_space<vmem>>
    %dma_start3A_68 = tpu.memref_squeeze %dma_start3A_67 : memref<1x1x1x120xi32, #tpu.memory_space<vmem>> -> memref<120xi32, #tpu.memory_space<vmem>>
    %dma_start3A_69 = arith.constant 0 : i32
    %dma_start3A_70 = arith.constant 0 : i32
    %dma_start3A_71 = tpu.memref_slice %arg2[%dma_start3A_69, %dma_start3A_70] : memref<10000x128xf32, #tpu.memory_space<hbm>> -> memref<10000x128xf32, #tpu.memory_space<hbm>>
    tpu.enqueue_indirect_dma source(%dma_start3A_71 : memref<10000x128xf32, #tpu.memory_space<hbm>>) target(%dma_start3A_65 : memref<120x128xf32, #tpu.memory_space<vmem>>) offsets(%dma_start3A_68 : memref<120xi32, #tpu.memory_space<vmem>>) semaphore(%arg9 : memref<!tpu.dma_semaphore, #tpu.memory_space<semaphore_mem>>)
    %dma_start3A_72 = arith.constant 0 : i32
    %dma_start3A_73 = arith.constant 1 : i32
    %dma_start3A_74 = arith.constant 0 : i32
    %dma_start3A_75 = arith.constant 1 : i32
    %dma_start3A_76 = arith.constant 0 : i32
    %dma_start3A_77 = arith.constant 0 : i32
    %dma_start3A_78 = tpu.memref_slice %arg8[%dma_start3A_75, %dma_start3A_76, %dma_start3A_77] : memref<3x120x128xf32, #tpu.memory_space<vmem>> -> memref<1x120x128xf32, #tpu.memory_space<vmem>>
    %dma_start3A_79 = tpu.memref_squeeze %dma_start3A_78 : memref<1x120x128xf32, #tpu.memory_space<vmem>> -> memref<120x128xf32, #tpu.memory_space<vmem>>
    %dma_start3A_80 = arith.constant 0 : i32
    %dma_start3A_81 = tpu.memref_slice %arg7[%dma_start3A_72, %dma_start3A_73, %dma_start3A_74, %dma_start3A_80] : memref<2x6x2x120xi32, #tpu.memory_space<vmem>> -> memref<1x1x1x120xi32, #tpu.memory_space<vmem>>
    %dma_start3A_82 = tpu.memref_squeeze %dma_start3A_81 : memref<1x1x1x120xi32, #tpu.memory_space<vmem>> -> memref<120xi32, #tpu.memory_space<vmem>>
    %dma_start3A_83 = arith.constant 0 : i32
    %dma_start3A_84 = arith.constant 0 : i32
    %dma_start3A_85 = tpu.memref_slice %arg2[%dma_start3A_83, %dma_start3A_84] : memref<10000x128xf32, #tpu.memory_space<hbm>> -> memref<10000x128xf32, #tpu.memory_space<hbm>>
    tpu.enqueue_indirect_dma source(%dma_start3A_85 : memref<10000x128xf32, #tpu.memory_space<hbm>>) target(%dma_start3A_79 : memref<120x128xf32, #tpu.memory_space<vmem>>) offsets(%dma_start3A_82 : memref<120xi32, #tpu.memory_space<vmem>>) semaphore(%arg10 : memref<!tpu.dma_semaphore, #tpu.memory_space<semaphore_mem>>)
    %scan3A = arith.constant 0 : i32
    %scan3A_86 = arith.constant 0 : i32
    %scan3A_87 = arith.constant 14 : i32
    %scan3A_88 = arith.addi %scan3A_86, %scan3A_87 : i32
    %scan3A_89 = arith.constant 1 : i32
    scf.for %scan3A_106 = %scan3A_86 to %scan3A_88 step %scan3A_89  : i32 {
      %mul3A_107 = arith.constant 2 : i32
      %mul3A_108 = arith.muli %mul3A_107, %scan3A_106 : i32
      %add3A_109 = arith.constant 0 : i32
      %add3A_110 = arith.addi %mul3A_108, %add3A_109 : i32
      %dma_wait3A_111 = arith.constant 0 : i32
      %dma_wait3A_112 = arith.constant 0 : i32
      %dma_wait3A_113 = arith.constant 0 : i32
      %dma_wait3A_114 = arith.constant 0 : i32
      %dma_wait3A_115 = arith.constant 0 : i32
      %dma_wait3A_116 = arith.constant 0 : i32
      %dma_wait3A_117 = tpu.memref_slice %arg8[%dma_wait3A_114, %dma_wait3A_115, %dma_wait3A_116] : memref<3x120x128xf32, #tpu.memory_space<vmem>> -> memref<1x120x128xf32, #tpu.memory_space<vmem>>
      %dma_wait3A_118 = tpu.memref_squeeze %dma_wait3A_117 : memref<1x120x128xf32, #tpu.memory_space<vmem>> -> memref<120x128xf32, #tpu.memory_space<vmem>>
      %dma_wait3A_119 = arith.constant 0 : i32
      %dma_wait3A_120 = tpu.memref_slice %arg7[%dma_wait3A_111, %dma_wait3A_112, %dma_wait3A_113, %dma_wait3A_119] : memref<2x6x2x120xi32, #tpu.memory_space<vmem>> -> memref<1x1x1x120xi32, #tpu.memory_space<vmem>>
      %dma_wait3A_121 = tpu.memref_squeeze %dma_wait3A_120 : memref<1x1x1x120xi32, #tpu.memory_space<vmem>> -> memref<120xi32, #tpu.memory_space<vmem>>
      %dma_wait3A_122 = arith.constant 0 : i32
      %dma_wait3A_123 = arith.constant 0 : i32
      %dma_wait3A_124 = tpu.memref_slice %arg2[%dma_wait3A_122, %dma_wait3A_123] : memref<10000x128xf32, #tpu.memory_space<hbm>> -> memref<10000x128xf32, #tpu.memory_space<hbm>>
      tpu.wait_indirect_dma semaphore(%arg9 : memref<!tpu.dma_semaphore, #tpu.memory_space<semaphore_mem>>) src(%dma_wait3A_124 : memref<10000x128xf32, #tpu.memory_space<hbm>>) dst(%dma_wait3A_118 : memref<120x128xf32, #tpu.memory_space<vmem>>)
      %dma_start3A_125 = arith.constant 0 : i32
      %dma_start3A_126 = arith.constant 0 : i32
      %dma_start3A_127 = arith.constant 0 : i32
      %dma_start3A_128 = arith.constant 1 : i32
      %dma_start3A_129 = arith.constant 0 : i32
      %dma_start3A_130 = arith.constant 0 : i32
      %dma_start3A_131 = tpu.memref_slice %arg8[%dma_start3A_125, %dma_start3A_129, %dma_start3A_130] : memref<3x120x128xf32, #tpu.memory_space<vmem>> -> memref<1x120x128xf32, #tpu.memory_space<vmem>>
      %dma_start3A_132 = tpu.memref_squeeze %dma_start3A_131 : memref<1x120x128xf32, #tpu.memory_space<vmem>> -> memref<120x128xf32, #tpu.memory_space<vmem>>
      %dma_start3A_133 = arith.constant 0 : i32
      %dma_start3A_134 = tpu.memref_slice %arg7[%dma_start3A_126, %dma_start3A_127, %dma_start3A_128, %dma_start3A_133] : memref<2x6x2x120xi32, #tpu.memory_space<vmem>> -> memref<1x1x1x120xi32, #tpu.memory_space<vmem>>
      %dma_start3A_135 = tpu.memref_squeeze %dma_start3A_134 : memref<1x1x1x120xi32, #tpu.memory_space<vmem>> -> memref<120xi32, #tpu.memory_space<vmem>>
      %dma_start3A_136 = arith.constant 0 : i32
      %dma_start3A_137 = arith.constant 0 : i32
      %dma_start3A_138 = tpu.memref_slice %arg6[%dma_start3A_136, %dma_start3A_137] : memref<10112x128xf32, #tpu.memory_space<vmem_shared>> -> memref<10112x128xf32, #tpu.memory_space<vmem_shared>>
      tpu.enqueue_indirect_dma source(%dma_start3A_132 : memref<120x128xf32, #tpu.memory_space<vmem>>) target(%dma_start3A_138 : memref<10112x128xf32, #tpu.memory_space<vmem_shared>>) offsets(%dma_start3A_135 : memref<120xi32, #tpu.memory_space<vmem>>) semaphore(%arg14 : memref<!tpu.dma_semaphore, #tpu.memory_space<semaphore_mem>>) {add = true}
      %gt3A = arith.constant 0 : i32
      %gt3A_139 = arith.cmpi sgt, %add3A_110, %gt3A : i32
      %convert_element_type3A = arith.extui %gt3A_139 : i1 to i32
      %cond3A = arith.constant 0 : i32
      %cond3A_140 = arith.cmpi ne, %convert_element_type3A, %cond3A : i32
      scf.if %cond3A_140 {
        %dma_wait3A_743 = arith.constant 2 : i32
        %dma_wait3A_744 = arith.constant 0 : i32
        %dma_wait3A_745 = arith.constant 0 : i32
        %dma_wait3A_746 = arith.constant 1 : i32
        %dma_wait3A_747 = arith.constant 0 : i32
        %dma_wait3A_748 = arith.constant 0 : i32
        %dma_wait3A_749 = tpu.memref_slice %arg8[%dma_wait3A_743, %dma_wait3A_747, %dma_wait3A_748] : memref<3x120x128xf32, #tpu.memory_space<vmem>> -> memref<1x120x128xf32, #tpu.memory_space<vmem>>
        %dma_wait3A_750 = tpu.memref_squeeze %dma_wait3A_749 : memref<1x120x128xf32, #tpu.memory_space<vmem>> -> memref<120x128xf32, #tpu.memory_space<vmem>>
        %dma_wait3A_751 = arith.constant 0 : i32
        %dma_wait3A_752 = tpu.memref_slice %arg7[%dma_wait3A_744, %dma_wait3A_745, %dma_wait3A_746, %dma_wait3A_751] : memref<2x6x2x120xi32, #tpu.memory_space<vmem>> -> memref<1x1x1x120xi32, #tpu.memory_space<vmem>>
        %dma_wait3A_753 = tpu.memref_squeeze %dma_wait3A_752 : memref<1x1x1x120xi32, #tpu.memory_space<vmem>> -> memref<120xi32, #tpu.memory_space<vmem>>
        %dma_wait3A_754 = arith.constant 0 : i32
        %dma_wait3A_755 = arith.constant 0 : i32
        %dma_wait3A_756 = tpu.memref_slice %arg6[%dma_wait3A_754, %dma_wait3A_755] : memref<10112x128xf32, #tpu.memory_space<vmem_shared>> -> memref<10112x128xf32, #tpu.memory_space<vmem_shared>>
        tpu.wait_indirect_dma semaphore(%arg16 : memref<!tpu.dma_semaphore, #tpu.memory_space<semaphore_mem>>) src(%dma_wait3A_750 : memref<120x128xf32, #tpu.memory_space<vmem>>) dst(%dma_wait3A_756 : memref<10112x128xf32, #tpu.memory_space<vmem_shared>>)
      } else {
      }
      %ge3A = arith.constant 1 : i32
      %ge3A_141 = arith.cmpi sge, %add3A_110, %ge3A : i32
      %lt3A = arith.constant 27 : i32
      %lt3A_142 = arith.cmpi slt, %add3A_110, %lt3A : i32
      %and3A = arith.andi %ge3A_141, %lt3A_142 : i1
      %convert_element_type3A_143 = arith.extui %and3A : i1 to i32
      %cond3A_144 = arith.constant 0 : i32
      %cond3A_145 = arith.cmpi ne, %convert_element_type3A_143, %cond3A_144 : i32
      scf.if %cond3A_145 {
        %add3A_743 = arith.constant 1 : i32
        %add3A_744 = arith.addi %add3A_110, %add3A_743 : i32
        %mul3A_745 = arith.constant 6 : i32
        %mul3A_746 = arith.muli %add3A_744, %mul3A_745 : i32
        %add3A_747 = arith.addi %mul3A_2, %mul3A_746 : i32
        %dma_start3A_748 = arith.constant 1 : i32
        %dma_start3A_749 = arith.constant 0 : i32
        %dma_start3A_750 = arith.constant 0 : i32
        %dma_start3A_751 = arith.constant 0 : i32
        %dma_start3A_752 = tpu.memref_slice %arg7[%dma_start3A_748, %dma_start3A_749, %dma_start3A_750, %dma_start3A_751] : memref<2x6x2x120xi32, #tpu.memory_space<vmem>> -> memref<1x6x2x120xi32, #tpu.memory_space<vmem>>
        %dma_start3A_753 = tpu.memref_squeeze %dma_start3A_752 : memref<1x6x2x120xi32, #tpu.memory_space<vmem>> -> memref<6x2x120xi32, #tpu.memory_space<vmem>>
        %dma_start3A_754 = arith.constant 0 : i32
        %dma_start3A_755 = arith.constant 0 : i32
        %dma_start3A_756 = tpu.memref_slice %arg3[%add3A_747, %dma_start3A_754, %dma_start3A_755] : memref<5376x2x120xi32, #tpu.memory_space<hbm>> -> memref<6x2x120xi32, #tpu.memory_space<hbm>>
        %dma_start3A_757 = arith.constant 0 : i32
        %dma_start3A_758 = arith.constant 0 : i32
        %dma_start3A_759 = arith.constant 0 : i32
        %dma_start3A_760 = tpu.memref_slice %arg7[%dma_start3A_748, %dma_start3A_757, %dma_start3A_758, %dma_start3A_759] : memref<2x6x2x120xi32, #tpu.memory_space<vmem>> -> memref<1x6x2x120xi32, #tpu.memory_space<vmem>>
        %dma_start3A_761 = tpu.memref_squeeze %dma_start3A_760 : memref<1x6x2x120xi32, #tpu.memory_space<vmem>> -> memref<6x2x120xi32, #tpu.memory_space<vmem>>
        %dma_start3A_762 = arith.constant 0 : i32
        %dma_start3A_763 = arith.constant 0 : i32
        %dma_start3A_764 = tpu.memref_slice %arg3[%add3A_747, %dma_start3A_762, %dma_start3A_763] : memref<5376x2x120xi32, #tpu.memory_space<hbm>> -> memref<6x2x120xi32, #tpu.memory_space<hbm>>
        tpu.enqueue_dma source(%dma_start3A_764 : memref<6x2x120xi32, #tpu.memory_space<hbm>>) target(%dma_start3A_761 : memref<6x2x120xi32, #tpu.memory_space<vmem>>) target_semaphore(%arg13 : memref<!tpu.dma_semaphore, #tpu.memory_space<semaphore_mem>>)
      } else {
      }
      %dma_start3A_146 = arith.constant 0 : i32
      %dma_start3A_147 = arith.constant 2 : i32
      %dma_start3A_148 = arith.constant 0 : i32
      %dma_start3A_149 = arith.constant 2 : i32
      %dma_start3A_150 = arith.constant 0 : i32
      %dma_start3A_151 = arith.constant 0 : i32
      %dma_start3A_152 = tpu.memref_slice %arg8[%dma_start3A_149, %dma_start3A_150, %dma_start3A_151] : memref<3x120x128xf32, #tpu.memory_space<vmem>> -> memref<1x120x128xf32, #tpu.memory_space<vmem>>
      %dma_start3A_153 = tpu.memref_squeeze %dma_start3A_152 : memref<1x120x128xf32, #tpu.memory_space<vmem>> -> memref<120x128xf32, #tpu.memory_space<vmem>>
      %dma_start3A_154 = arith.constant 0 : i32
      %dma_start3A_155 = tpu.memref_slice %arg7[%dma_start3A_146, %dma_start3A_147, %dma_start3A_148, %dma_start3A_154] : memref<2x6x2x120xi32, #tpu.memory_space<vmem>> -> memref<1x1x1x120xi32, #tpu.memory_space<vmem>>
      %dma_start3A_156 = tpu.memref_squeeze %dma_start3A_155 : memref<1x1x1x120xi32, #tpu.memory_space<vmem>> -> memref<120xi32, #tpu.memory_space<vmem>>
      %dma_start3A_157 = arith.constant 0 : i32
      %dma_start3A_158 = arith.constant 0 : i32
      %dma_start3A_159 = tpu.memref_slice %arg2[%dma_start3A_157, %dma_start3A_158] : memref<10000x128xf32, #tpu.memory_space<hbm>> -> memref<10000x128xf32, #tpu.memory_space<hbm>>
      tpu.enqueue_indirect_dma source(%dma_start3A_159 : memref<10000x128xf32, #tpu.memory_space<hbm>>) target(%dma_start3A_153 : memref<120x128xf32, #tpu.memory_space<vmem>>) offsets(%dma_start3A_156 : memref<120xi32, #tpu.memory_space<vmem>>) semaphore(%arg11 : memref<!tpu.dma_semaphore, #tpu.memory_space<semaphore_mem>>)
      %dma_wait3A_160 = arith.constant 0 : i32
      %dma_wait3A_161 = arith.constant 0 : i32
      %dma_wait3A_162 = arith.constant 0 : i32
      %dma_wait3A_163 = arith.constant 1 : i32
      %dma_wait3A_164 = arith.constant 0 : i32
      %dma_wait3A_165 = arith.constant 0 : i32
      %dma_wait3A_166 = tpu.memref_slice %arg8[%dma_wait3A_163, %dma_wait3A_164, %dma_wait3A_165] : memref<3x120x128xf32, #tpu.memory_space<vmem>> -> memref<1x120x128xf32, #tpu.memory_space<vmem>>
      %dma_wait3A_167 = tpu.memref_squeeze %dma_wait3A_166 : memref<1x120x128xf32, #tpu.memory_space<vmem>> -> memref<120x128xf32, #tpu.memory_space<vmem>>
      %dma_wait3A_168 = arith.constant 0 : i32
      %dma_wait3A_169 = tpu.memref_slice %arg7[%dma_wait3A_160, %dma_wait3A_161, %dma_wait3A_162, %dma_wait3A_168] : memref<2x6x2x120xi32, #tpu.memory_space<vmem>> -> memref<1x1x1x120xi32, #tpu.memory_space<vmem>>
      %dma_wait3A_170 = tpu.memref_squeeze %dma_wait3A_169 : memref<1x1x1x120xi32, #tpu.memory_space<vmem>> -> memref<120xi32, #tpu.memory_space<vmem>>
      %dma_wait3A_171 = arith.constant 0 : i32
      %dma_wait3A_172 = arith.constant 0 : i32
      %dma_wait3A_173 = tpu.memref_slice %arg2[%dma_wait3A_171, %dma_wait3A_172] : memref<10000x128xf32, #tpu.memory_space<hbm>> -> memref<10000x128xf32, #tpu.memory_space<hbm>>
      tpu.wait_indirect_dma semaphore(%arg10 : memref<!tpu.dma_semaphore, #tpu.memory_space<semaphore_mem>>) src(%dma_wait3A_173 : memref<10000x128xf32, #tpu.memory_space<hbm>>) dst(%dma_wait3A_167 : memref<120x128xf32, #tpu.memory_space<vmem>>)
      %dma_start3A_174 = arith.constant 1 : i32
      %dma_start3A_175 = arith.constant 0 : i32
      %dma_start3A_176 = arith.constant 1 : i32
      %dma_start3A_177 = arith.constant 1 : i32
      %dma_start3A_178 = arith.constant 0 : i32
      %dma_start3A_179 = arith.constant 0 : i32
      %dma_start3A_180 = tpu.memref_slice %arg8[%dma_start3A_174, %dma_start3A_178, %dma_start3A_179] : memref<3x120x128xf32, #tpu.memory_space<vmem>> -> memref<1x120x128xf32, #tpu.memory_space<vmem>>
      %dma_start3A_181 = tpu.memref_squeeze %dma_start3A_180 : memref<1x120x128xf32, #tpu.memory_space<vmem>> -> memref<120x128xf32, #tpu.memory_space<vmem>>
      %dma_start3A_182 = arith.constant 0 : i32
      %dma_start3A_183 = tpu.memref_slice %arg7[%dma_start3A_175, %dma_start3A_176, %dma_start3A_177, %dma_start3A_182] : memref<2x6x2x120xi32, #tpu.memory_space<vmem>> -> memref<1x1x1x120xi32, #tpu.memory_space<vmem>>
      %dma_start3A_184 = tpu.memref_squeeze %dma_start3A_183 : memref<1x1x1x120xi32, #tpu.memory_space<vmem>> -> memref<120xi32, #tpu.memory_space<vmem>>
      %dma_start3A_185 = arith.constant 0 : i32
      %dma_start3A_186 = arith.constant 0 : i32
      %dma_start3A_187 = tpu.memref_slice %arg6[%dma_start3A_185, %dma_start3A_186] : memref<10112x128xf32, #tpu.memory_space<vmem_shared>> -> memref<10112x128xf32, #tpu.memory_space<vmem_shared>>
      tpu.enqueue_indirect_dma source(%dma_start3A_181 : memref<120x128xf32, #tpu.memory_space<vmem>>) target(%dma_start3A_187 : memref<10112x128xf32, #tpu.memory_space<vmem_shared>>) offsets(%dma_start3A_184 : memref<120xi32, #tpu.memory_space<vmem>>) semaphore(%arg15 : memref<!tpu.dma_semaphore, #tpu.memory_space<semaphore_mem>>) {add = true}
      %dma_wait3A_188 = arith.constant 0 : i32
      %dma_wait3A_189 = arith.constant 0 : i32
      %dma_wait3A_190 = arith.constant 0 : i32
      %dma_wait3A_191 = arith.constant 1 : i32
      %dma_wait3A_192 = arith.constant 0 : i32
      %dma_wait3A_193 = arith.constant 0 : i32
      %dma_wait3A_194 = tpu.memref_slice %arg8[%dma_wait3A_188, %dma_wait3A_192, %dma_wait3A_193] : memref<3x120x128xf32, #tpu.memory_space<vmem>> -> memref<1x120x128xf32, #tpu.memory_space<vmem>>
      %dma_wait3A_195 = tpu.memref_squeeze %dma_wait3A_194 : memref<1x120x128xf32, #tpu.memory_space<vmem>> -> memref<120x128xf32, #tpu.memory_space<vmem>>
      %dma_wait3A_196 = arith.constant 0 : i32
      %dma_wait3A_197 = tpu.memref_slice %arg7[%dma_wait3A_189, %dma_wait3A_190, %dma_wait3A_191, %dma_wait3A_196] : memref<2x6x2x120xi32, #tpu.memory_space<vmem>> -> memref<1x1x1x120xi32, #tpu.memory_space<vmem>>
      %dma_wait3A_198 = tpu.memref_squeeze %dma_wait3A_197 : memref<1x1x1x120xi32, #tpu.memory_space<vmem>> -> memref<120xi32, #tpu.memory_space<vmem>>
      %dma_wait3A_199 = arith.constant 0 : i32
      %dma_wait3A_200 = arith.constant 0 : i32
      %dma_wait3A_201 = tpu.memref_slice %arg6[%dma_wait3A_199, %dma_wait3A_200] : memref<10112x128xf32, #tpu.memory_space<vmem_shared>> -> memref<10112x128xf32, #tpu.memory_space<vmem_shared>>
      tpu.wait_indirect_dma semaphore(%arg14 : memref<!tpu.dma_semaphore, #tpu.memory_space<semaphore_mem>>) src(%dma_wait3A_195 : memref<120x128xf32, #tpu.memory_space<vmem>>) dst(%dma_wait3A_201 : memref<10112x128xf32, #tpu.memory_space<vmem_shared>>)
      %dma_start3A_202 = arith.constant 0 : i32
      %dma_start3A_203 = arith.constant 3 : i32
      %dma_start3A_204 = arith.constant 0 : i32
      %dma_start3A_205 = arith.constant 0 : i32
      %dma_start3A_206 = arith.constant 0 : i32
      %dma_start3A_207 = arith.constant 0 : i32
      %dma_start3A_208 = tpu.memref_slice %arg8[%dma_start3A_205, %dma_start3A_206, %dma_start3A_207] : memref<3x120x128xf32, #tpu.memory_space<vmem>> -> memref<1x120x128xf32, #tpu.memory_space<vmem>>
      %dma_start3A_209 = tpu.memref_squeeze %dma_start3A_208 : memref<1x120x128xf32, #tpu.memory_space<vmem>> -> memref<120x128xf32, #tpu.memory_space<vmem>>
      %dma_start3A_210 = arith.constant 0 : i32
      %dma_start3A_211 = tpu.memref_slice %arg7[%dma_start3A_202, %dma_start3A_203, %dma_start3A_204, %dma_start3A_210] : memref<2x6x2x120xi32, #tpu.memory_space<vmem>> -> memref<1x1x1x120xi32, #tpu.memory_space<vmem>>
      %dma_start3A_212 = tpu.memref_squeeze %dma_start3A_211 : memref<1x1x1x120xi32, #tpu.memory_space<vmem>> -> memref<120xi32, #tpu.memory_space<vmem>>
      %dma_start3A_213 = arith.constant 0 : i32
      %dma_start3A_214 = arith.constant 0 : i32
      %dma_start3A_215 = tpu.memref_slice %arg2[%dma_start3A_213, %dma_start3A_214] : memref<10000x128xf32, #tpu.memory_space<hbm>> -> memref<10000x128xf32, #tpu.memory_space<hbm>>
      tpu.enqueue_indirect_dma source(%dma_start3A_215 : memref<10000x128xf32, #tpu.memory_space<hbm>>) target(%dma_start3A_209 : memref<120x128xf32, #tpu.memory_space<vmem>>) offsets(%dma_start3A_212 : memref<120xi32, #tpu.memory_space<vmem>>) semaphore(%arg9 : memref<!tpu.dma_semaphore, #tpu.memory_space<semaphore_mem>>)
      %dma_wait3A_216 = arith.constant 0 : i32
      %dma_wait3A_217 = arith.constant 0 : i32
      %dma_wait3A_218 = arith.constant 0 : i32
      %dma_wait3A_219 = arith.constant 2 : i32
      %dma_wait3A_220 = arith.constant 0 : i32
      %dma_wait3A_221 = arith.constant 0 : i32
      %dma_wait3A_222 = tpu.memref_slice %arg8[%dma_wait3A_219, %dma_wait3A_220, %dma_wait3A_221] : memref<3x120x128xf32, #tpu.memory_space<vmem>> -> memref<1x120x128xf32, #tpu.memory_space<vmem>>
      %dma_wait3A_223 = tpu.memref_squeeze %dma_wait3A_222 : memref<1x120x128xf32, #tpu.memory_space<vmem>> -> memref<120x128xf32, #tpu.memory_space<vmem>>
      %dma_wait3A_224 = arith.constant 0 : i32
      %dma_wait3A_225 = tpu.memref_slice %arg7[%dma_wait3A_216, %dma_wait3A_217, %dma_wait3A_218, %dma_wait3A_224] : memref<2x6x2x120xi32, #tpu.memory_space<vmem>> -> memref<1x1x1x120xi32, #tpu.memory_space<vmem>>
      %dma_wait3A_226 = tpu.memref_squeeze %dma_wait3A_225 : memref<1x1x1x120xi32, #tpu.memory_space<vmem>> -> memref<120xi32, #tpu.memory_space<vmem>>
      %dma_wait3A_227 = arith.constant 0 : i32
      %dma_wait3A_228 = arith.constant 0 : i32
      %dma_wait3A_229 = tpu.memref_slice %arg2[%dma_wait3A_227, %dma_wait3A_228] : memref<10000x128xf32, #tpu.memory_space<hbm>> -> memref<10000x128xf32, #tpu.memory_space<hbm>>
      tpu.wait_indirect_dma semaphore(%arg11 : memref<!tpu.dma_semaphore, #tpu.memory_space<semaphore_mem>>) src(%dma_wait3A_229 : memref<10000x128xf32, #tpu.memory_space<hbm>>) dst(%dma_wait3A_223 : memref<120x128xf32, #tpu.memory_space<vmem>>)
      %dma_start3A_230 = arith.constant 2 : i32
      %dma_start3A_231 = arith.constant 0 : i32
      %dma_start3A_232 = arith.constant 2 : i32
      %dma_start3A_233 = arith.constant 1 : i32
      %dma_start3A_234 = arith.constant 0 : i32
      %dma_start3A_235 = arith.constant 0 : i32
      %dma_start3A_236 = tpu.memref_slice %arg8[%dma_start3A_230, %dma_start3A_234, %dma_start3A_235] : memref<3x120x128xf32, #tpu.memory_space<vmem>> -> memref<1x120x128xf32, #tpu.memory_space<vmem>>
      %dma_start3A_237 = tpu.memref_squeeze %dma_start3A_236 : memref<1x120x128xf32, #tpu.memory_space<vmem>> -> memref<120x128xf32, #tpu.memory_space<vmem>>
      %dma_start3A_238 = arith.constant 0 : i32
      %dma_start3A_239 = tpu.memref_slice %arg7[%dma_start3A_231, %dma_start3A_232, %dma_start3A_233, %dma_start3A_238] : memref<2x6x2x120xi32, #tpu.memory_space<vmem>> -> memref<1x1x1x120xi32, #tpu.memory_space<vmem>>
      %dma_start3A_240 = tpu.memref_squeeze %dma_start3A_239 : memref<1x1x1x120xi32, #tpu.memory_space<vmem>> -> memref<120xi32, #tpu.memory_space<vmem>>
      %dma_start3A_241 = arith.constant 0 : i32
      %dma_start3A_242 = arith.constant 0 : i32
      %dma_start3A_243 = tpu.memref_slice %arg6[%dma_start3A_241, %dma_start3A_242] : memref<10112x128xf32, #tpu.memory_space<vmem_shared>> -> memref<10112x128xf32, #tpu.memory_space<vmem_shared>>
      tpu.enqueue_indirect_dma source(%dma_start3A_237 : memref<120x128xf32, #tpu.memory_space<vmem>>) target(%dma_start3A_243 : memref<10112x128xf32, #tpu.memory_space<vmem_shared>>) offsets(%dma_start3A_240 : memref<120xi32, #tpu.memory_space<vmem>>) semaphore(%arg16 : memref<!tpu.dma_semaphore, #tpu.memory_space<semaphore_mem>>) {add = true}
      %dma_wait3A_244 = arith.constant 1 : i32
      %dma_wait3A_245 = arith.constant 0 : i32
      %dma_wait3A_246 = arith.constant 0 : i32
      %dma_wait3A_247 = arith.constant 1 : i32
      %dma_wait3A_248 = arith.constant 0 : i32
      %dma_wait3A_249 = arith.constant 0 : i32
      %dma_wait3A_250 = tpu.memref_slice %arg8[%dma_wait3A_244, %dma_wait3A_248, %dma_wait3A_249] : memref<3x120x128xf32, #tpu.memory_space<vmem>> -> memref<1x120x128xf32, #tpu.memory_space<vmem>>
      %dma_wait3A_251 = tpu.memref_squeeze %dma_wait3A_250 : memref<1x120x128xf32, #tpu.memory_space<vmem>> -> memref<120x128xf32, #tpu.memory_space<vmem>>
      %dma_wait3A_252 = arith.constant 0 : i32
      %dma_wait3A_253 = tpu.memref_slice %arg7[%dma_wait3A_245, %dma_wait3A_246, %dma_wait3A_247, %dma_wait3A_252] : memref<2x6x2x120xi32, #tpu.memory_space<vmem>> -> memref<1x1x1x120xi32, #tpu.memory_space<vmem>>
      %dma_wait3A_254 = tpu.memref_squeeze %dma_wait3A_253 : memref<1x1x1x120xi32, #tpu.memory_space<vmem>> -> memref<120xi32, #tpu.memory_space<vmem>>
      %dma_wait3A_255 = arith.constant 0 : i32
      %dma_wait3A_256 = arith.constant 0 : i32
      %dma_wait3A_257 = tpu.memref_slice %arg6[%dma_wait3A_255, %dma_wait3A_256] : memref<10112x128xf32, #tpu.memory_space<vmem_shared>> -> memref<10112x128xf32, #tpu.memory_space<vmem_shared>>
      tpu.wait_indirect_dma semaphore(%arg15 : memref<!tpu.dma_semaphore, #tpu.memory_space<semaphore_mem>>) src(%dma_wait3A_251 : memref<120x128xf32, #tpu.memory_space<vmem>>) dst(%dma_wait3A_257 : memref<10112x128xf32, #tpu.memory_space<vmem_shared>>)
      %dma_start3A_258 = arith.constant 0 : i32
      %dma_start3A_259 = arith.constant 4 : i32
      %dma_start3A_260 = arith.constant 0 : i32
      %dma_start3A_261 = arith.constant 1 : i32
      %dma_start3A_262 = arith.constant 0 : i32
      %dma_start3A_263 = arith.constant 0 : i32
      %dma_start3A_264 = tpu.memref_slice %arg8[%dma_start3A_261, %dma_start3A_262, %dma_start3A_263] : memref<3x120x128xf32, #tpu.memory_space<vmem>> -> memref<1x120x128xf32, #tpu.memory_space<vmem>>
      %dma_start3A_265 = tpu.memref_squeeze %dma_start3A_264 : memref<1x120x128xf32, #tpu.memory_space<vmem>> -> memref<120x128xf32, #tpu.memory_space<vmem>>
      %dma_start3A_266 = arith.constant 0 : i32
      %dma_start3A_267 = tpu.memref_slice %arg7[%dma_start3A_258, %dma_start3A_259, %dma_start3A_260, %dma_start3A_266] : memref<2x6x2x120xi32, #tpu.memory_space<vmem>> -> memref<1x1x1x120xi32, #tpu.memory_space<vmem>>
      %dma_start3A_268 = tpu.memref_squeeze %dma_start3A_267 : memref<1x1x1x120xi32, #tpu.memory_space<vmem>> -> memref<120xi32, #tpu.memory_space<vmem>>
      %dma_start3A_269 = arith.constant 0 : i32
      %dma_start3A_270 = arith.constant 0 : i32
      %dma_start3A_271 = tpu.memref_slice %arg2[%dma_start3A_269, %dma_start3A_270] : memref<10000x128xf32, #tpu.memory_space<hbm>> -> memref<10000x128xf32, #tpu.memory_space<hbm>>
      tpu.enqueue_indirect_dma source(%dma_start3A_271 : memref<10000x128xf32, #tpu.memory_space<hbm>>) target(%dma_start3A_265 : memref<120x128xf32, #tpu.memory_space<vmem>>) offsets(%dma_start3A_268 : memref<120xi32, #tpu.memory_space<vmem>>) semaphore(%arg10 : memref<!tpu.dma_semaphore, #tpu.memory_space<semaphore_mem>>)
      %dma_wait3A_272 = arith.constant 0 : i32
      %dma_wait3A_273 = arith.constant 0 : i32
      %dma_wait3A_274 = arith.constant 0 : i32
      %dma_wait3A_275 = arith.constant 0 : i32
      %dma_wait3A_276 = arith.constant 0 : i32
      %dma_wait3A_277 = arith.constant 0 : i32
      %dma_wait3A_278 = tpu.memref_slice %arg8[%dma_wait3A_275, %dma_wait3A_276, %dma_wait3A_277] : memref<3x120x128xf32, #tpu.memory_space<vmem>> -> memref<1x120x128xf32, #tpu.memory_space<vmem>>
      %dma_wait3A_279 = tpu.memref_squeeze %dma_wait3A_278 : memref<1x120x128xf32, #tpu.memory_space<vmem>> -> memref<120x128xf32, #tpu.memory_space<vmem>>
      %dma_wait3A_280 = arith.constant 0 : i32
      %dma_wait3A_281 = tpu.memref_slice %arg7[%dma_wait3A_272, %dma_wait3A_273, %dma_wait3A_274, %dma_wait3A_280] : memref<2x6x2x120xi32, #tpu.memory_space<vmem>> -> memref<1x1x1x120xi32, #tpu.memory_space<vmem>>
      %dma_wait3A_282 = tpu.memref_squeeze %dma_wait3A_281 : memref<1x1x1x120xi32, #tpu.memory_space<vmem>> -> memref<120xi32, #tpu.memory_space<vmem>>
      %dma_wait3A_283 = arith.constant 0 : i32
      %dma_wait3A_284 = arith.constant 0 : i32
      %dma_wait3A_285 = tpu.memref_slice %arg2[%dma_wait3A_283, %dma_wait3A_284] : memref<10000x128xf32, #tpu.memory_space<hbm>> -> memref<10000x128xf32, #tpu.memory_space<hbm>>
      tpu.wait_indirect_dma semaphore(%arg9 : memref<!tpu.dma_semaphore, #tpu.memory_space<semaphore_mem>>) src(%dma_wait3A_285 : memref<10000x128xf32, #tpu.memory_space<hbm>>) dst(%dma_wait3A_279 : memref<120x128xf32, #tpu.memory_space<vmem>>)
      %dma_start3A_286 = arith.constant 0 : i32
      %dma_start3A_287 = arith.constant 0 : i32
      %dma_start3A_288 = arith.constant 3 : i32
      %dma_start3A_289 = arith.constant 1 : i32
      %dma_start3A_290 = arith.constant 0 : i32
      %dma_start3A_291 = arith.constant 0 : i32
      %dma_start3A_292 = tpu.memref_slice %arg8[%dma_start3A_286, %dma_start3A_290, %dma_start3A_291] : memref<3x120x128xf32, #tpu.memory_space<vmem>> -> memref<1x120x128xf32, #tpu.memory_space<vmem>>
      %dma_start3A_293 = tpu.memref_squeeze %dma_start3A_292 : memref<1x120x128xf32, #tpu.memory_space<vmem>> -> memref<120x128xf32, #tpu.memory_space<vmem>>
      %dma_start3A_294 = arith.constant 0 : i32
      %dma_start3A_295 = tpu.memref_slice %arg7[%dma_start3A_287, %dma_start3A_288, %dma_start3A_289, %dma_start3A_294] : memref<2x6x2x120xi32, #tpu.memory_space<vmem>> -> memref<1x1x1x120xi32, #tpu.memory_space<vmem>>
      %dma_start3A_296 = tpu.memref_squeeze %dma_start3A_295 : memref<1x1x1x120xi32, #tpu.memory_space<vmem>> -> memref<120xi32, #tpu.memory_space<vmem>>
      %dma_start3A_297 = arith.constant 0 : i32
      %dma_start3A_298 = arith.constant 0 : i32
      %dma_start3A_299 = tpu.memref_slice %arg6[%dma_start3A_297, %dma_start3A_298] : memref<10112x128xf32, #tpu.memory_space<vmem_shared>> -> memref<10112x128xf32, #tpu.memory_space<vmem_shared>>
      tpu.enqueue_indirect_dma source(%dma_start3A_293 : memref<120x128xf32, #tpu.memory_space<vmem>>) target(%dma_start3A_299 : memref<10112x128xf32, #tpu.memory_space<vmem_shared>>) offsets(%dma_start3A_296 : memref<120xi32, #tpu.memory_space<vmem>>) semaphore(%arg14 : memref<!tpu.dma_semaphore, #tpu.memory_space<semaphore_mem>>) {add = true}
      %dma_wait3A_300 = arith.constant 2 : i32
      %dma_wait3A_301 = arith.constant 0 : i32
      %dma_wait3A_302 = arith.constant 0 : i32
      %dma_wait3A_303 = arith.constant 1 : i32
      %dma_wait3A_304 = arith.constant 0 : i32
      %dma_wait3A_305 = arith.constant 0 : i32
      %dma_wait3A_306 = tpu.memref_slice %arg8[%dma_wait3A_300, %dma_wait3A_304, %dma_wait3A_305] : memref<3x120x128xf32, #tpu.memory_space<vmem>> -> memref<1x120x128xf32, #tpu.memory_space<vmem>>
      %dma_wait3A_307 = tpu.memref_squeeze %dma_wait3A_306 : memref<1x120x128xf32, #tpu.memory_space<vmem>> -> memref<120x128xf32, #tpu.memory_space<vmem>>
      %dma_wait3A_308 = arith.constant 0 : i32
      %dma_wait3A_309 = tpu.memref_slice %arg7[%dma_wait3A_301, %dma_wait3A_302, %dma_wait3A_303, %dma_wait3A_308] : memref<2x6x2x120xi32, #tpu.memory_space<vmem>> -> memref<1x1x1x120xi32, #tpu.memory_space<vmem>>
      %dma_wait3A_310 = tpu.memref_squeeze %dma_wait3A_309 : memref<1x1x1x120xi32, #tpu.memory_space<vmem>> -> memref<120xi32, #tpu.memory_space<vmem>>
      %dma_wait3A_311 = arith.constant 0 : i32
      %dma_wait3A_312 = arith.constant 0 : i32
      %dma_wait3A_313 = tpu.memref_slice %arg6[%dma_wait3A_311, %dma_wait3A_312] : memref<10112x128xf32, #tpu.memory_space<vmem_shared>> -> memref<10112x128xf32, #tpu.memory_space<vmem_shared>>
      tpu.wait_indirect_dma semaphore(%arg16 : memref<!tpu.dma_semaphore, #tpu.memory_space<semaphore_mem>>) src(%dma_wait3A_307 : memref<120x128xf32, #tpu.memory_space<vmem>>) dst(%dma_wait3A_313 : memref<10112x128xf32, #tpu.memory_space<vmem_shared>>)
      %dma_start3A_314 = arith.constant 0 : i32
      %dma_start3A_315 = arith.constant 5 : i32
      %dma_start3A_316 = arith.constant 0 : i32
      %dma_start3A_317 = arith.constant 2 : i32
      %dma_start3A_318 = arith.constant 0 : i32
      %dma_start3A_319 = arith.constant 0 : i32
      %dma_start3A_320 = tpu.memref_slice %arg8[%dma_start3A_317, %dma_start3A_318, %dma_start3A_319] : memref<3x120x128xf32, #tpu.memory_space<vmem>> -> memref<1x120x128xf32, #tpu.memory_space<vmem>>
      %dma_start3A_321 = tpu.memref_squeeze %dma_start3A_320 : memref<1x120x128xf32, #tpu.memory_space<vmem>> -> memref<120x128xf32, #tpu.memory_space<vmem>>
      %dma_start3A_322 = arith.constant 0 : i32
      %dma_start3A_323 = tpu.memref_slice %arg7[%dma_start3A_314, %dma_start3A_315, %dma_start3A_316, %dma_start3A_322] : memref<2x6x2x120xi32, #tpu.memory_space<vmem>> -> memref<1x1x1x120xi32, #tpu.memory_space<vmem>>
      %dma_start3A_324 = tpu.memref_squeeze %dma_start3A_323 : memref<1x1x1x120xi32, #tpu.memory_space<vmem>> -> memref<120xi32, #tpu.memory_space<vmem>>
      %dma_start3A_325 = arith.constant 0 : i32
      %dma_start3A_326 = arith.constant 0 : i32
      %dma_start3A_327 = tpu.memref_slice %arg2[%dma_start3A_325, %dma_start3A_326] : memref<10000x128xf32, #tpu.memory_space<hbm>> -> memref<10000x128xf32, #tpu.memory_space<hbm>>
      tpu.enqueue_indirect_dma source(%dma_start3A_327 : memref<10000x128xf32, #tpu.memory_space<hbm>>) target(%dma_start3A_321 : memref<120x128xf32, #tpu.memory_space<vmem>>) offsets(%dma_start3A_324 : memref<120xi32, #tpu.memory_space<vmem>>) semaphore(%arg11 : memref<!tpu.dma_semaphore, #tpu.memory_space<semaphore_mem>>)
      %dma_wait3A_328 = arith.constant 0 : i32
      %dma_wait3A_329 = arith.constant 0 : i32
      %dma_wait3A_330 = arith.constant 0 : i32
      %dma_wait3A_331 = arith.constant 1 : i32
      %dma_wait3A_332 = arith.constant 0 : i32
      %dma_wait3A_333 = arith.constant 0 : i32
      %dma_wait3A_334 = tpu.memref_slice %arg8[%dma_wait3A_331, %dma_wait3A_332, %dma_wait3A_333] : memref<3x120x128xf32, #tpu.memory_space<vmem>> -> memref<1x120x128xf32, #tpu.memory_space<vmem>>
      %dma_wait3A_335 = tpu.memref_squeeze %dma_wait3A_334 : memref<1x120x128xf32, #tpu.memory_space<vmem>> -> memref<120x128xf32, #tpu.memory_space<vmem>>
      %dma_wait3A_336 = arith.constant 0 : i32
      %dma_wait3A_337 = tpu.memref_slice %arg7[%dma_wait3A_328, %dma_wait3A_329, %dma_wait3A_330, %dma_wait3A_336] : memref<2x6x2x120xi32, #tpu.memory_space<vmem>> -> memref<1x1x1x120xi32, #tpu.memory_space<vmem>>
      %dma_wait3A_338 = tpu.memref_squeeze %dma_wait3A_337 : memref<1x1x1x120xi32, #tpu.memory_space<vmem>> -> memref<120xi32, #tpu.memory_space<vmem>>
      %dma_wait3A_339 = arith.constant 0 : i32
      %dma_wait3A_340 = arith.constant 0 : i32
      %dma_wait3A_341 = tpu.memref_slice %arg2[%dma_wait3A_339, %dma_wait3A_340] : memref<10000x128xf32, #tpu.memory_space<hbm>> -> memref<10000x128xf32, #tpu.memory_space<hbm>>
      tpu.wait_indirect_dma semaphore(%arg10 : memref<!tpu.dma_semaphore, #tpu.memory_space<semaphore_mem>>) src(%dma_wait3A_341 : memref<10000x128xf32, #tpu.memory_space<hbm>>) dst(%dma_wait3A_335 : memref<120x128xf32, #tpu.memory_space<vmem>>)
      %dma_start3A_342 = arith.constant 1 : i32
      %dma_start3A_343 = arith.constant 0 : i32
      %dma_start3A_344 = arith.constant 4 : i32
      %dma_start3A_345 = arith.constant 1 : i32
      %dma_start3A_346 = arith.constant 0 : i32
      %dma_start3A_347 = arith.constant 0 : i32
      %dma_start3A_348 = tpu.memref_slice %arg8[%dma_start3A_342, %dma_start3A_346, %dma_start3A_347] : memref<3x120x128xf32, #tpu.memory_space<vmem>> -> memref<1x120x128xf32, #tpu.memory_space<vmem>>
      %dma_start3A_349 = tpu.memref_squeeze %dma_start3A_348 : memref<1x120x128xf32, #tpu.memory_space<vmem>> -> memref<120x128xf32, #tpu.memory_space<vmem>>
      %dma_start3A_350 = arith.constant 0 : i32
      %dma_start3A_351 = tpu.memref_slice %arg7[%dma_start3A_343, %dma_start3A_344, %dma_start3A_345, %dma_start3A_350] : memref<2x6x2x120xi32, #tpu.memory_space<vmem>> -> memref<1x1x1x120xi32, #tpu.memory_space<vmem>>
      %dma_start3A_352 = tpu.memref_squeeze %dma_start3A_351 : memref<1x1x1x120xi32, #tpu.memory_space<vmem>> -> memref<120xi32, #tpu.memory_space<vmem>>
      %dma_start3A_353 = arith.constant 0 : i32
      %dma_start3A_354 = arith.constant 0 : i32
      %dma_start3A_355 = tpu.memref_slice %arg6[%dma_start3A_353, %dma_start3A_354] : memref<10112x128xf32, #tpu.memory_space<vmem_shared>> -> memref<10112x128xf32, #tpu.memory_space<vmem_shared>>
      tpu.enqueue_indirect_dma source(%dma_start3A_349 : memref<120x128xf32, #tpu.memory_space<vmem>>) target(%dma_start3A_355 : memref<10112x128xf32, #tpu.memory_space<vmem_shared>>) offsets(%dma_start3A_352 : memref<120xi32, #tpu.memory_space<vmem>>) semaphore(%arg15 : memref<!tpu.dma_semaphore, #tpu.memory_space<semaphore_mem>>) {add = true}
      %dma_wait3A_356 = arith.constant 0 : i32
      %dma_wait3A_357 = arith.constant 0 : i32
      %dma_wait3A_358 = arith.constant 0 : i32
      %dma_wait3A_359 = arith.constant 1 : i32
      %dma_wait3A_360 = arith.constant 0 : i32
      %dma_wait3A_361 = arith.constant 0 : i32
      %dma_wait3A_362 = tpu.memref_slice %arg8[%dma_wait3A_356, %dma_wait3A_360, %dma_wait3A_361] : memref<3x120x128xf32, #tpu.memory_space<vmem>> -> memref<1x120x128xf32, #tpu.memory_space<vmem>>
      %dma_wait3A_363 = tpu.memref_squeeze %dma_wait3A_362 : memref<1x120x128xf32, #tpu.memory_space<vmem>> -> memref<120x128xf32, #tpu.memory_space<vmem>>
      %dma_wait3A_364 = arith.constant 0 : i32
      %dma_wait3A_365 = tpu.memref_slice %arg7[%dma_wait3A_357, %dma_wait3A_358, %dma_wait3A_359, %dma_wait3A_364] : memref<2x6x2x120xi32, #tpu.memory_space<vmem>> -> memref<1x1x1x120xi32, #tpu.memory_space<vmem>>
      %dma_wait3A_366 = tpu.memref_squeeze %dma_wait3A_365 : memref<1x1x1x120xi32, #tpu.memory_space<vmem>> -> memref<120xi32, #tpu.memory_space<vmem>>
      %dma_wait3A_367 = arith.constant 0 : i32
      %dma_wait3A_368 = arith.constant 0 : i32
      %dma_wait3A_369 = tpu.memref_slice %arg6[%dma_wait3A_367, %dma_wait3A_368] : memref<10112x128xf32, #tpu.memory_space<vmem_shared>> -> memref<10112x128xf32, #tpu.memory_space<vmem_shared>>
      tpu.wait_indirect_dma semaphore(%arg14 : memref<!tpu.dma_semaphore, #tpu.memory_space<semaphore_mem>>) src(%dma_wait3A_363 : memref<120x128xf32, #tpu.memory_space<vmem>>) dst(%dma_wait3A_369 : memref<10112x128xf32, #tpu.memory_space<vmem_shared>>)
      %lt3A_370 = arith.constant 27 : i32
      %lt3A_371 = arith.cmpi slt, %add3A_110, %lt3A_370 : i32
      %convert_element_type3A_372 = arith.extui %lt3A_371 : i1 to i32
      %cond3A_373 = arith.constant 0 : i32
      %cond3A_374 = arith.cmpi ne, %convert_element_type3A_372, %cond3A_373 : i32
      scf.if %cond3A_374 {
        %dma_wait3A_743 = arith.constant 1 : i32
        %dma_wait3A_744 = arith.constant 0 : i32
        %dma_wait3A_745 = arith.constant 0 : i32
        %dma_wait3A_746 = arith.constant 0 : i32
        %dma_wait3A_747 = tpu.memref_slice %arg7[%dma_wait3A_743, %dma_wait3A_744, %dma_wait3A_745, %dma_wait3A_746] : memref<2x6x2x120xi32, #tpu.memory_space<vmem>> -> memref<1x6x2x120xi32, #tpu.memory_space<vmem>>
        %dma_wait3A_748 = tpu.memref_squeeze %dma_wait3A_747 : memref<1x6x2x120xi32, #tpu.memory_space<vmem>> -> memref<6x2x120xi32, #tpu.memory_space<vmem>>
        %dma_wait3A_749 = arith.constant 0 : i32
        %dma_wait3A_750 = arith.constant 0 : i32
        %dma_wait3A_751 = tpu.memref_slice %arg3[%mul3A_2, %dma_wait3A_749, %dma_wait3A_750] : memref<5376x2x120xi32, #tpu.memory_space<hbm>> -> memref<6x2x120xi32, #tpu.memory_space<hbm>>
        %dma_wait3A_752 = arith.constant 0 : i32
        %dma_wait3A_753 = arith.constant 0 : i32
        %dma_wait3A_754 = arith.constant 0 : i32
        %dma_wait3A_755 = tpu.memref_slice %arg7[%dma_wait3A_743, %dma_wait3A_752, %dma_wait3A_753, %dma_wait3A_754] : memref<2x6x2x120xi32, #tpu.memory_space<vmem>> -> memref<1x6x2x120xi32, #tpu.memory_space<vmem>>
        %dma_wait3A_756 = tpu.memref_squeeze %dma_wait3A_755 : memref<1x6x2x120xi32, #tpu.memory_space<vmem>> -> memref<6x2x120xi32, #tpu.memory_space<vmem>>
        %dma_wait3A_757 = arith.constant 0 : i32
        %dma_wait3A_758 = arith.constant 0 : i32
        %dma_wait3A_759 = tpu.memref_slice %arg3[%mul3A_2, %dma_wait3A_757, %dma_wait3A_758] : memref<5376x2x120xi32, #tpu.memory_space<hbm>> -> memref<6x2x120xi32, #tpu.memory_space<hbm>>
        tpu.wait_dma2 semaphore(%arg13 : memref<!tpu.dma_semaphore, #tpu.memory_space<semaphore_mem>>) src(%dma_wait3A_759 : memref<6x2x120xi32, #tpu.memory_space<hbm>>) dst(%dma_wait3A_756 : memref<6x2x120xi32, #tpu.memory_space<vmem>>)
        %dma_start3A_760 = arith.constant 1 : i32
        %dma_start3A_761 = arith.constant 0 : i32
        %dma_start3A_762 = arith.constant 0 : i32
        %dma_start3A_763 = arith.constant 0 : i32
        %dma_start3A_764 = arith.constant 0 : i32
        %dma_start3A_765 = arith.constant 0 : i32
        %dma_start3A_766 = tpu.memref_slice %arg8[%dma_start3A_763, %dma_start3A_764, %dma_start3A_765] : memref<3x120x128xf32, #tpu.memory_space<vmem>> -> memref<1x120x128xf32, #tpu.memory_space<vmem>>
        %dma_start3A_767 = tpu.memref_squeeze %dma_start3A_766 : memref<1x120x128xf32, #tpu.memory_space<vmem>> -> memref<120x128xf32, #tpu.memory_space<vmem>>
        %dma_start3A_768 = arith.constant 0 : i32
        %dma_start3A_769 = tpu.memref_slice %arg7[%dma_start3A_760, %dma_start3A_761, %dma_start3A_762, %dma_start3A_768] : memref<2x6x2x120xi32, #tpu.memory_space<vmem>> -> memref<1x1x1x120xi32, #tpu.memory_space<vmem>>
        %dma_start3A_770 = tpu.memref_squeeze %dma_start3A_769 : memref<1x1x1x120xi32, #tpu.memory_space<vmem>> -> memref<120xi32, #tpu.memory_space<vmem>>
        %dma_start3A_771 = arith.constant 0 : i32
        %dma_start3A_772 = arith.constant 0 : i32
        %dma_start3A_773 = tpu.memref_slice %arg2[%dma_start3A_771, %dma_start3A_772] : memref<10000x128xf32, #tpu.memory_space<hbm>> -> memref<10000x128xf32, #tpu.memory_space<hbm>>
        tpu.enqueue_indirect_dma source(%dma_start3A_773 : memref<10000x128xf32, #tpu.memory_space<hbm>>) target(%dma_start3A_767 : memref<120x128xf32, #tpu.memory_space<vmem>>) offsets(%dma_start3A_770 : memref<120xi32, #tpu.memory_space<vmem>>) semaphore(%arg9 : memref<!tpu.dma_semaphore, #tpu.memory_space<semaphore_mem>>)
      } else {
      }
      %dma_wait3A_375 = arith.constant 0 : i32
      %dma_wait3A_376 = arith.constant 0 : i32
      %dma_wait3A_377 = arith.constant 0 : i32
      %dma_wait3A_378 = arith.constant 2 : i32
      %dma_wait3A_379 = arith.constant 0 : i32
      %dma_wait3A_380 = arith.constant 0 : i32
      %dma_wait3A_381 = tpu.memref_slice %arg8[%dma_wait3A_378, %dma_wait3A_379, %dma_wait3A_380] : memref<3x120x128xf32, #tpu.memory_space<vmem>> -> memref<1x120x128xf32, #tpu.memory_space<vmem>>
      %dma_wait3A_382 = tpu.memref_squeeze %dma_wait3A_381 : memref<1x120x128xf32, #tpu.memory_space<vmem>> -> memref<120x128xf32, #tpu.memory_space<vmem>>
      %dma_wait3A_383 = arith.constant 0 : i32
      %dma_wait3A_384 = tpu.memref_slice %arg7[%dma_wait3A_375, %dma_wait3A_376, %dma_wait3A_377, %dma_wait3A_383] : memref<2x6x2x120xi32, #tpu.memory_space<vmem>> -> memref<1x1x1x120xi32, #tpu.memory_space<vmem>>
      %dma_wait3A_385 = tpu.memref_squeeze %dma_wait3A_384 : memref<1x1x1x120xi32, #tpu.memory_space<vmem>> -> memref<120xi32, #tpu.memory_space<vmem>>
      %dma_wait3A_386 = arith.constant 0 : i32
      %dma_wait3A_387 = arith.constant 0 : i32
      %dma_wait3A_388 = tpu.memref_slice %arg2[%dma_wait3A_386, %dma_wait3A_387] : memref<10000x128xf32, #tpu.memory_space<hbm>> -> memref<10000x128xf32, #tpu.memory_space<hbm>>
      tpu.wait_indirect_dma semaphore(%arg11 : memref<!tpu.dma_semaphore, #tpu.memory_space<semaphore_mem>>) src(%dma_wait3A_388 : memref<10000x128xf32, #tpu.memory_space<hbm>>) dst(%dma_wait3A_382 : memref<120x128xf32, #tpu.memory_space<vmem>>)
      %dma_start3A_389 = arith.constant 2 : i32
      %dma_start3A_390 = arith.constant 0 : i32
      %dma_start3A_391 = arith.constant 5 : i32
      %dma_start3A_392 = arith.constant 1 : i32
      %dma_start3A_393 = arith.constant 0 : i32
      %dma_start3A_394 = arith.constant 0 : i32
      %dma_start3A_395 = tpu.memref_slice %arg8[%dma_start3A_389, %dma_start3A_393, %dma_start3A_394] : memref<3x120x128xf32, #tpu.memory_space<vmem>> -> memref<1x120x128xf32, #tpu.memory_space<vmem>>
      %dma_start3A_396 = tpu.memref_squeeze %dma_start3A_395 : memref<1x120x128xf32, #tpu.memory_space<vmem>> -> memref<120x128xf32, #tpu.memory_space<vmem>>
      %dma_start3A_397 = arith.constant 0 : i32
      %dma_start3A_398 = tpu.memref_slice %arg7[%dma_start3A_390, %dma_start3A_391, %dma_start3A_392, %dma_start3A_397] : memref<2x6x2x120xi32, #tpu.memory_space<vmem>> -> memref<1x1x1x120xi32, #tpu.memory_space<vmem>>
      %dma_start3A_399 = tpu.memref_squeeze %dma_start3A_398 : memref<1x1x1x120xi32, #tpu.memory_space<vmem>> -> memref<120xi32, #tpu.memory_space<vmem>>
      %dma_start3A_400 = arith.constant 0 : i32
      %dma_start3A_401 = arith.constant 0 : i32
      %dma_start3A_402 = tpu.memref_slice %arg6[%dma_start3A_400, %dma_start3A_401] : memref<10112x128xf32, #tpu.memory_space<vmem_shared>> -> memref<10112x128xf32, #tpu.memory_space<vmem_shared>>
      tpu.enqueue_indirect_dma source(%dma_start3A_396 : memref<120x128xf32, #tpu.memory_space<vmem>>) target(%dma_start3A_402 : memref<10112x128xf32, #tpu.memory_space<vmem_shared>>) offsets(%dma_start3A_399 : memref<120xi32, #tpu.memory_space<vmem>>) semaphore(%arg16 : memref<!tpu.dma_semaphore, #tpu.memory_space<semaphore_mem>>) {add = true}
      %dma_wait3A_403 = arith.constant 1 : i32
      %dma_wait3A_404 = arith.constant 0 : i32
      %dma_wait3A_405 = arith.constant 0 : i32
      %dma_wait3A_406 = arith.constant 1 : i32
      %dma_wait3A_407 = arith.constant 0 : i32
      %dma_wait3A_408 = arith.constant 0 : i32
      %dma_wait3A_409 = tpu.memref_slice %arg8[%dma_wait3A_403, %dma_wait3A_407, %dma_wait3A_408] : memref<3x120x128xf32, #tpu.memory_space<vmem>> -> memref<1x120x128xf32, #tpu.memory_space<vmem>>
      %dma_wait3A_410 = tpu.memref_squeeze %dma_wait3A_409 : memref<1x120x128xf32, #tpu.memory_space<vmem>> -> memref<120x128xf32, #tpu.memory_space<vmem>>
      %dma_wait3A_411 = arith.constant 0 : i32
      %dma_wait3A_412 = tpu.memref_slice %arg7[%dma_wait3A_404, %dma_wait3A_405, %dma_wait3A_406, %dma_wait3A_411] : memref<2x6x2x120xi32, #tpu.memory_space<vmem>> -> memref<1x1x1x120xi32, #tpu.memory_space<vmem>>
      %dma_wait3A_413 = tpu.memref_squeeze %dma_wait3A_412 : memref<1x1x1x120xi32, #tpu.memory_space<vmem>> -> memref<120xi32, #tpu.memory_space<vmem>>
      %dma_wait3A_414 = arith.constant 0 : i32
      %dma_wait3A_415 = arith.constant 0 : i32
      %dma_wait3A_416 = tpu.memref_slice %arg6[%dma_wait3A_414, %dma_wait3A_415] : memref<10112x128xf32, #tpu.memory_space<vmem_shared>> -> memref<10112x128xf32, #tpu.memory_space<vmem_shared>>
      tpu.wait_indirect_dma semaphore(%arg15 : memref<!tpu.dma_semaphore, #tpu.memory_space<semaphore_mem>>) src(%dma_wait3A_410 : memref<120x128xf32, #tpu.memory_space<vmem>>) dst(%dma_wait3A_416 : memref<10112x128xf32, #tpu.memory_space<vmem_shared>>)
      %lt3A_417 = arith.constant 27 : i32
      %lt3A_418 = arith.cmpi slt, %add3A_110, %lt3A_417 : i32
      %convert_element_type3A_419 = arith.extui %lt3A_418 : i1 to i32
      %cond3A_420 = arith.constant 0 : i32
      %cond3A_421 = arith.cmpi ne, %convert_element_type3A_419, %cond3A_420 : i32
      scf.if %cond3A_421 {
        %dma_start3A_743 = arith.constant 1 : i32
        %dma_start3A_744 = arith.constant 1 : i32
        %dma_start3A_745 = arith.constant 0 : i32
        %dma_start3A_746 = arith.constant 1 : i32
        %dma_start3A_747 = arith.constant 0 : i32
        %dma_start3A_748 = arith.constant 0 : i32
        %dma_start3A_749 = tpu.memref_slice %arg8[%dma_start3A_746, %dma_start3A_747, %dma_start3A_748] : memref<3x120x128xf32, #tpu.memory_space<vmem>> -> memref<1x120x128xf32, #tpu.memory_space<vmem>>
        %dma_start3A_750 = tpu.memref_squeeze %dma_start3A_749 : memref<1x120x128xf32, #tpu.memory_space<vmem>> -> memref<120x128xf32, #tpu.memory_space<vmem>>
        %dma_start3A_751 = arith.constant 0 : i32
        %dma_start3A_752 = tpu.memref_slice %arg7[%dma_start3A_743, %dma_start3A_744, %dma_start3A_745, %dma_start3A_751] : memref<2x6x2x120xi32, #tpu.memory_space<vmem>> -> memref<1x1x1x120xi32, #tpu.memory_space<vmem>>
        %dma_start3A_753 = tpu.memref_squeeze %dma_start3A_752 : memref<1x1x1x120xi32, #tpu.memory_space<vmem>> -> memref<120xi32, #tpu.memory_space<vmem>>
        %dma_start3A_754 = arith.constant 0 : i32
        %dma_start3A_755 = arith.constant 0 : i32
        %dma_start3A_756 = tpu.memref_slice %arg2[%dma_start3A_754, %dma_start3A_755] : memref<10000x128xf32, #tpu.memory_space<hbm>> -> memref<10000x128xf32, #tpu.memory_space<hbm>>
        tpu.enqueue_indirect_dma source(%dma_start3A_756 : memref<10000x128xf32, #tpu.memory_space<hbm>>) target(%dma_start3A_750 : memref<120x128xf32, #tpu.memory_space<vmem>>) offsets(%dma_start3A_753 : memref<120xi32, #tpu.memory_space<vmem>>) semaphore(%arg10 : memref<!tpu.dma_semaphore, #tpu.memory_space<semaphore_mem>>)
      } else {
      }
      %mul3A_422 = arith.constant 2 : i32
      %mul3A_423 = arith.muli %mul3A_422, %scan3A_106 : i32
      %add3A_424 = arith.constant 1 : i32
      %add3A_425 = arith.addi %mul3A_423, %add3A_424 : i32
      %dma_wait3A_426 = arith.constant 0 : i32
      %dma_wait3A_427 = arith.constant 0 : i32
      %dma_wait3A_428 = arith.constant 0 : i32
      %dma_wait3A_429 = arith.constant 0 : i32
      %dma_wait3A_430 = arith.constant 0 : i32
      %dma_wait3A_431 = arith.constant 0 : i32
      %dma_wait3A_432 = tpu.memref_slice %arg8[%dma_wait3A_429, %dma_wait3A_430, %dma_wait3A_431] : memref<3x120x128xf32, #tpu.memory_space<vmem>> -> memref<1x120x128xf32, #tpu.memory_space<vmem>>
      %dma_wait3A_433 = tpu.memref_squeeze %dma_wait3A_432 : memref<1x120x128xf32, #tpu.memory_space<vmem>> -> memref<120x128xf32, #tpu.memory_space<vmem>>
      %dma_wait3A_434 = arith.constant 0 : i32
      %dma_wait3A_435 = tpu.memref_slice %arg7[%dma_wait3A_426, %dma_wait3A_427, %dma_wait3A_428, %dma_wait3A_434] : memref<2x6x2x120xi32, #tpu.memory_space<vmem>> -> memref<1x1x1x120xi32, #tpu.memory_space<vmem>>
      %dma_wait3A_436 = tpu.memref_squeeze %dma_wait3A_435 : memref<1x1x1x120xi32, #tpu.memory_space<vmem>> -> memref<120xi32, #tpu.memory_space<vmem>>
      %dma_wait3A_437 = arith.constant 0 : i32
      %dma_wait3A_438 = arith.constant 0 : i32
      %dma_wait3A_439 = tpu.memref_slice %arg2[%dma_wait3A_437, %dma_wait3A_438] : memref<10000x128xf32, #tpu.memory_space<hbm>> -> memref<10000x128xf32, #tpu.memory_space<hbm>>
      tpu.wait_indirect_dma semaphore(%arg9 : memref<!tpu.dma_semaphore, #tpu.memory_space<semaphore_mem>>) src(%dma_wait3A_439 : memref<10000x128xf32, #tpu.memory_space<hbm>>) dst(%dma_wait3A_433 : memref<120x128xf32, #tpu.memory_space<vmem>>)
      %dma_start3A_440 = arith.constant 0 : i32
      %dma_start3A_441 = arith.constant 1 : i32
      %dma_start3A_442 = arith.constant 0 : i32
      %dma_start3A_443 = arith.constant 1 : i32
      %dma_start3A_444 = arith.constant 0 : i32
      %dma_start3A_445 = arith.constant 0 : i32
      %dma_start3A_446 = tpu.memref_slice %arg8[%dma_start3A_440, %dma_start3A_444, %dma_start3A_445] : memref<3x120x128xf32, #tpu.memory_space<vmem>> -> memref<1x120x128xf32, #tpu.memory_space<vmem>>
      %dma_start3A_447 = tpu.memref_squeeze %dma_start3A_446 : memref<1x120x128xf32, #tpu.memory_space<vmem>> -> memref<120x128xf32, #tpu.memory_space<vmem>>
      %dma_start3A_448 = arith.constant 0 : i32
      %dma_start3A_449 = tpu.memref_slice %arg7[%dma_start3A_441, %dma_start3A_442, %dma_start3A_443, %dma_start3A_448] : memref<2x6x2x120xi32, #tpu.memory_space<vmem>> -> memref<1x1x1x120xi32, #tpu.memory_space<vmem>>
      %dma_start3A_450 = tpu.memref_squeeze %dma_start3A_449 : memref<1x1x1x120xi32, #tpu.memory_space<vmem>> -> memref<120xi32, #tpu.memory_space<vmem>>
      %dma_start3A_451 = arith.constant 0 : i32
      %dma_start3A_452 = arith.constant 0 : i32
      %dma_start3A_453 = tpu.memref_slice %arg6[%dma_start3A_451, %dma_start3A_452] : memref<10112x128xf32, #tpu.memory_space<vmem_shared>> -> memref<10112x128xf32, #tpu.memory_space<vmem_shared>>
      tpu.enqueue_indirect_dma source(%dma_start3A_447 : memref<120x128xf32, #tpu.memory_space<vmem>>) target(%dma_start3A_453 : memref<10112x128xf32, #tpu.memory_space<vmem_shared>>) offsets(%dma_start3A_450 : memref<120xi32, #tpu.memory_space<vmem>>) semaphore(%arg14 : memref<!tpu.dma_semaphore, #tpu.memory_space<semaphore_mem>>) {add = true}
      %gt3A_454 = arith.constant 0 : i32
      %gt3A_455 = arith.cmpi sgt, %add3A_425, %gt3A_454 : i32
      %convert_element_type3A_456 = arith.extui %gt3A_455 : i1 to i32
      %cond3A_457 = arith.constant 0 : i32
      %cond3A_458 = arith.cmpi ne, %convert_element_type3A_456, %cond3A_457 : i32
      scf.if %cond3A_458 {
        %dma_wait3A_743 = arith.constant 2 : i32
        %dma_wait3A_744 = arith.constant 0 : i32
        %dma_wait3A_745 = arith.constant 0 : i32
        %dma_wait3A_746 = arith.constant 1 : i32
        %dma_wait3A_747 = arith.constant 0 : i32
        %dma_wait3A_748 = arith.constant 0 : i32
        %dma_wait3A_749 = tpu.memref_slice %arg8[%dma_wait3A_743, %dma_wait3A_747, %dma_wait3A_748] : memref<3x120x128xf32, #tpu.memory_space<vmem>> -> memref<1x120x128xf32, #tpu.memory_space<vmem>>
        %dma_wait3A_750 = tpu.memref_squeeze %dma_wait3A_749 : memref<1x120x128xf32, #tpu.memory_space<vmem>> -> memref<120x128xf32, #tpu.memory_space<vmem>>
        %dma_wait3A_751 = arith.constant 0 : i32
        %dma_wait3A_752 = tpu.memref_slice %arg7[%dma_wait3A_744, %dma_wait3A_745, %dma_wait3A_746, %dma_wait3A_751] : memref<2x6x2x120xi32, #tpu.memory_space<vmem>> -> memref<1x1x1x120xi32, #tpu.memory_space<vmem>>
        %dma_wait3A_753 = tpu.memref_squeeze %dma_wait3A_752 : memref<1x1x1x120xi32, #tpu.memory_space<vmem>> -> memref<120xi32, #tpu.memory_space<vmem>>
        %dma_wait3A_754 = arith.constant 0 : i32
        %dma_wait3A_755 = arith.constant 0 : i32
        %dma_wait3A_756 = tpu.memref_slice %arg6[%dma_wait3A_754, %dma_wait3A_755] : memref<10112x128xf32, #tpu.memory_space<vmem_shared>> -> memref<10112x128xf32, #tpu.memory_space<vmem_shared>>
        tpu.wait_indirect_dma semaphore(%arg16 : memref<!tpu.dma_semaphore, #tpu.memory_space<semaphore_mem>>) src(%dma_wait3A_750 : memref<120x128xf32, #tpu.memory_space<vmem>>) dst(%dma_wait3A_756 : memref<10112x128xf32, #tpu.memory_space<vmem_shared>>)
      } else {
      }
      %ge3A_459 = arith.constant 1 : i32
      %ge3A_460 = arith.cmpi sge, %add3A_425, %ge3A_459 : i32
      %lt3A_461 = arith.constant 27 : i32
      %lt3A_462 = arith.cmpi slt, %add3A_425, %lt3A_461 : i32
      %and3A_463 = arith.andi %ge3A_460, %lt3A_462 : i1
      %convert_element_type3A_464 = arith.extui %and3A_463 : i1 to i32
      %cond3A_465 = arith.constant 0 : i32
      %cond3A_466 = arith.cmpi ne, %convert_element_type3A_464, %cond3A_465 : i32
      scf.if %cond3A_466 {
        %add3A_743 = arith.constant 1 : i32
        %add3A_744 = arith.addi %add3A_425, %add3A_743 : i32
        %mul3A_745 = arith.constant 6 : i32
        %mul3A_746 = arith.muli %add3A_744, %mul3A_745 : i32
        %add3A_747 = arith.addi %mul3A_2, %mul3A_746 : i32
        %dma_start3A_748 = arith.constant 0 : i32
        %dma_start3A_749 = arith.constant 0 : i32
        %dma_start3A_750 = arith.constant 0 : i32
        %dma_start3A_751 = arith.constant 0 : i32
        %dma_start3A_752 = tpu.memref_slice %arg7[%dma_start3A_748, %dma_start3A_749, %dma_start3A_750, %dma_start3A_751] : memref<2x6x2x120xi32, #tpu.memory_space<vmem>> -> memref<1x6x2x120xi32, #tpu.memory_space<vmem>>
        %dma_start3A_753 = tpu.memref_squeeze %dma_start3A_752 : memref<1x6x2x120xi32, #tpu.memory_space<vmem>> -> memref<6x2x120xi32, #tpu.memory_space<vmem>>
        %dma_start3A_754 = arith.constant 0 : i32
        %dma_start3A_755 = arith.constant 0 : i32
        %dma_start3A_756 = tpu.memref_slice %arg3[%add3A_747, %dma_start3A_754, %dma_start3A_755] : memref<5376x2x120xi32, #tpu.memory_space<hbm>> -> memref<6x2x120xi32, #tpu.memory_space<hbm>>
        %dma_start3A_757 = arith.constant 0 : i32
        %dma_start3A_758 = arith.constant 0 : i32
        %dma_start3A_759 = arith.constant 0 : i32
        %dma_start3A_760 = tpu.memref_slice %arg7[%dma_start3A_748, %dma_start3A_757, %dma_start3A_758, %dma_start3A_759] : memref<2x6x2x120xi32, #tpu.memory_space<vmem>> -> memref<1x6x2x120xi32, #tpu.memory_space<vmem>>
        %dma_start3A_761 = tpu.memref_squeeze %dma_start3A_760 : memref<1x6x2x120xi32, #tpu.memory_space<vmem>> -> memref<6x2x120xi32, #tpu.memory_space<vmem>>
        %dma_start3A_762 = arith.constant 0 : i32
        %dma_start3A_763 = arith.constant 0 : i32
        %dma_start3A_764 = tpu.memref_slice %arg3[%add3A_747, %dma_start3A_762, %dma_start3A_763] : memref<5376x2x120xi32, #tpu.memory_space<hbm>> -> memref<6x2x120xi32, #tpu.memory_space<hbm>>
        tpu.enqueue_dma source(%dma_start3A_764 : memref<6x2x120xi32, #tpu.memory_space<hbm>>) target(%dma_start3A_761 : memref<6x2x120xi32, #tpu.memory_space<vmem>>) target_semaphore(%arg12 : memref<!tpu.dma_semaphore, #tpu.memory_space<semaphore_mem>>)
      } else {
      }
      %dma_start3A_467 = arith.constant 1 : i32
      %dma_start3A_468 = arith.constant 2 : i32
      %dma_start3A_469 = arith.constant 0 : i32
      %dma_start3A_470 = arith.constant 2 : i32
      %dma_start3A_471 = arith.constant 0 : i32
      %dma_start3A_472 = arith.constant 0 : i32
      %dma_start3A_473 = tpu.memref_slice %arg8[%dma_start3A_470, %dma_start3A_471, %dma_start3A_472] : memref<3x120x128xf32, #tpu.memory_space<vmem>> -> memref<1x120x128xf32, #tpu.memory_space<vmem>>
      %dma_start3A_474 = tpu.memref_squeeze %dma_start3A_473 : memref<1x120x128xf32, #tpu.memory_space<vmem>> -> memref<120x128xf32, #tpu.memory_space<vmem>>
      %dma_start3A_475 = arith.constant 0 : i32
      %dma_start3A_476 = tpu.memref_slice %arg7[%dma_start3A_467, %dma_start3A_468, %dma_start3A_469, %dma_start3A_475] : memref<2x6x2x120xi32, #tpu.memory_space<vmem>> -> memref<1x1x1x120xi32, #tpu.memory_space<vmem>>
      %dma_start3A_477 = tpu.memref_squeeze %dma_start3A_476 : memref<1x1x1x120xi32, #tpu.memory_space<vmem>> -> memref<120xi32, #tpu.memory_space<vmem>>
      %dma_start3A_478 = arith.constant 0 : i32
      %dma_start3A_479 = arith.constant 0 : i32
      %dma_start3A_480 = tpu.memref_slice %arg2[%dma_start3A_478, %dma_start3A_479] : memref<10000x128xf32, #tpu.memory_space<hbm>> -> memref<10000x128xf32, #tpu.memory_space<hbm>>
      tpu.enqueue_indirect_dma source(%dma_start3A_480 : memref<10000x128xf32, #tpu.memory_space<hbm>>) target(%dma_start3A_474 : memref<120x128xf32, #tpu.memory_space<vmem>>) offsets(%dma_start3A_477 : memref<120xi32, #tpu.memory_space<vmem>>) semaphore(%arg11 : memref<!tpu.dma_semaphore, #tpu.memory_space<semaphore_mem>>)
      %dma_wait3A_481 = arith.constant 0 : i32
      %dma_wait3A_482 = arith.constant 0 : i32
      %dma_wait3A_483 = arith.constant 0 : i32
      %dma_wait3A_484 = arith.constant 1 : i32
      %dma_wait3A_485 = arith.constant 0 : i32
      %dma_wait3A_486 = arith.constant 0 : i32
      %dma_wait3A_487 = tpu.memref_slice %arg8[%dma_wait3A_484, %dma_wait3A_485, %dma_wait3A_486] : memref<3x120x128xf32, #tpu.memory_space<vmem>> -> memref<1x120x128xf32, #tpu.memory_space<vmem>>
      %dma_wait3A_488 = tpu.memref_squeeze %dma_wait3A_487 : memref<1x120x128xf32, #tpu.memory_space<vmem>> -> memref<120x128xf32, #tpu.memory_space<vmem>>
      %dma_wait3A_489 = arith.constant 0 : i32
      %dma_wait3A_490 = tpu.memref_slice %arg7[%dma_wait3A_481, %dma_wait3A_482, %dma_wait3A_483, %dma_wait3A_489] : memref<2x6x2x120xi32, #tpu.memory_space<vmem>> -> memref<1x1x1x120xi32, #tpu.memory_space<vmem>>
      %dma_wait3A_491 = tpu.memref_squeeze %dma_wait3A_490 : memref<1x1x1x120xi32, #tpu.memory_space<vmem>> -> memref<120xi32, #tpu.memory_space<vmem>>
      %dma_wait3A_492 = arith.constant 0 : i32
      %dma_wait3A_493 = arith.constant 0 : i32
      %dma_wait3A_494 = tpu.memref_slice %arg2[%dma_wait3A_492, %dma_wait3A_493] : memref<10000x128xf32, #tpu.memory_space<hbm>> -> memref<10000x128xf32, #tpu.memory_space<hbm>>
      tpu.wait_indirect_dma semaphore(%arg10 : memref<!tpu.dma_semaphore, #tpu.memory_space<semaphore_mem>>) src(%dma_wait3A_494 : memref<10000x128xf32, #tpu.memory_space<hbm>>) dst(%dma_wait3A_488 : memref<120x128xf32, #tpu.memory_space<vmem>>)
      %dma_start3A_495 = arith.constant 1 : i32
      %dma_start3A_496 = arith.constant 1 : i32
      %dma_start3A_497 = arith.constant 1 : i32
      %dma_start3A_498 = arith.constant 1 : i32
      %dma_start3A_499 = arith.constant 0 : i32
      %dma_start3A_500 = arith.constant 0 : i32
      %dma_start3A_501 = tpu.memref_slice %arg8[%dma_start3A_495, %dma_start3A_499, %dma_start3A_500] : memref<3x120x128xf32, #tpu.memory_space<vmem>> -> memref<1x120x128xf32, #tpu.memory_space<vmem>>
      %dma_start3A_502 = tpu.memref_squeeze %dma_start3A_501 : memref<1x120x128xf32, #tpu.memory_space<vmem>> -> memref<120x128xf32, #tpu.memory_space<vmem>>
      %dma_start3A_503 = arith.constant 0 : i32
      %dma_start3A_504 = tpu.memref_slice %arg7[%dma_start3A_496, %dma_start3A_497, %dma_start3A_498, %dma_start3A_503] : memref<2x6x2x120xi32, #tpu.memory_space<vmem>> -> memref<1x1x1x120xi32, #tpu.memory_space<vmem>>
      %dma_start3A_505 = tpu.memref_squeeze %dma_start3A_504 : memref<1x1x1x120xi32, #tpu.memory_space<vmem>> -> memref<120xi32, #tpu.memory_space<vmem>>
      %dma_start3A_506 = arith.constant 0 : i32
      %dma_start3A_507 = arith.constant 0 : i32
      %dma_start3A_508 = tpu.memref_slice %arg6[%dma_start3A_506, %dma_start3A_507] : memref<10112x128xf32, #tpu.memory_space<vmem_shared>> -> memref<10112x128xf32, #tpu.memory_space<vmem_shared>>
      tpu.enqueue_indirect_dma source(%dma_start3A_502 : memref<120x128xf32, #tpu.memory_space<vmem>>) target(%dma_start3A_508 : memref<10112x128xf32, #tpu.memory_space<vmem_shared>>) offsets(%dma_start3A_505 : memref<120xi32, #tpu.memory_space<vmem>>) semaphore(%arg15 : memref<!tpu.dma_semaphore, #tpu.memory_space<semaphore_mem>>) {add = true}
      %dma_wait3A_509 = arith.constant 0 : i32
      %dma_wait3A_510 = arith.constant 0 : i32
      %dma_wait3A_511 = arith.constant 0 : i32
      %dma_wait3A_512 = arith.constant 1 : i32
      %dma_wait3A_513 = arith.constant 0 : i32
      %dma_wait3A_514 = arith.constant 0 : i32
      %dma_wait3A_515 = tpu.memref_slice %arg8[%dma_wait3A_509, %dma_wait3A_513, %dma_wait3A_514] : memref<3x120x128xf32, #tpu.memory_space<vmem>> -> memref<1x120x128xf32, #tpu.memory_space<vmem>>
      %dma_wait3A_516 = tpu.memref_squeeze %dma_wait3A_515 : memref<1x120x128xf32, #tpu.memory_space<vmem>> -> memref<120x128xf32, #tpu.memory_space<vmem>>
      %dma_wait3A_517 = arith.constant 0 : i32
      %dma_wait3A_518 = tpu.memref_slice %arg7[%dma_wait3A_510, %dma_wait3A_511, %dma_wait3A_512, %dma_wait3A_517] : memref<2x6x2x120xi32, #tpu.memory_space<vmem>> -> memref<1x1x1x120xi32, #tpu.memory_space<vmem>>
      %dma_wait3A_519 = tpu.memref_squeeze %dma_wait3A_518 : memref<1x1x1x120xi32, #tpu.memory_space<vmem>> -> memref<120xi32, #tpu.memory_space<vmem>>
      %dma_wait3A_520 = arith.constant 0 : i32
      %dma_wait3A_521 = arith.constant 0 : i32
      %dma_wait3A_522 = tpu.memref_slice %arg6[%dma_wait3A_520, %dma_wait3A_521] : memref<10112x128xf32, #tpu.memory_space<vmem_shared>> -> memref<10112x128xf32, #tpu.memory_space<vmem_shared>>
      tpu.wait_indirect_dma semaphore(%arg14 : memref<!tpu.dma_semaphore, #tpu.memory_space<semaphore_mem>>) src(%dma_wait3A_516 : memref<120x128xf32, #tpu.memory_space<vmem>>) dst(%dma_wait3A_522 : memref<10112x128xf32, #tpu.memory_space<vmem_shared>>)
      %dma_start3A_523 = arith.constant 1 : i32
      %dma_start3A_524 = arith.constant 3 : i32
      %dma_start3A_525 = arith.constant 0 : i32
      %dma_start3A_526 = arith.constant 0 : i32
      %dma_start3A_527 = arith.constant 0 : i32
      %dma_start3A_528 = arith.constant 0 : i32
      %dma_start3A_529 = tpu.memref_slice %arg8[%dma_start3A_526, %dma_start3A_527, %dma_start3A_528] : memref<3x120x128xf32, #tpu.memory_space<vmem>> -> memref<1x120x128xf32, #tpu.memory_space<vmem>>
      %dma_start3A_530 = tpu.memref_squeeze %dma_start3A_529 : memref<1x120x128xf32, #tpu.memory_space<vmem>> -> memref<120x128xf32, #tpu.memory_space<vmem>>
      %dma_start3A_531 = arith.constant 0 : i32
      %dma_start3A_532 = tpu.memref_slice %arg7[%dma_start3A_523, %dma_start3A_524, %dma_start3A_525, %dma_start3A_531] : memref<2x6x2x120xi32, #tpu.memory_space<vmem>> -> memref<1x1x1x120xi32, #tpu.memory_space<vmem>>
      %dma_start3A_533 = tpu.memref_squeeze %dma_start3A_532 : memref<1x1x1x120xi32, #tpu.memory_space<vmem>> -> memref<120xi32, #tpu.memory_space<vmem>>
      %dma_start3A_534 = arith.constant 0 : i32
      %dma_start3A_535 = arith.constant 0 : i32
      %dma_start3A_536 = tpu.memref_slice %arg2[%dma_start3A_534, %dma_start3A_535] : memref<10000x128xf32, #tpu.memory_space<hbm>> -> memref<10000x128xf32, #tpu.memory_space<hbm>>
      tpu.enqueue_indirect_dma source(%dma_start3A_536 : memref<10000x128xf32, #tpu.memory_space<hbm>>) target(%dma_start3A_530 : memref<120x128xf32, #tpu.memory_space<vmem>>) offsets(%dma_start3A_533 : memref<120xi32, #tpu.memory_space<vmem>>) semaphore(%arg9 : memref<!tpu.dma_semaphore, #tpu.memory_space<semaphore_mem>>)
      %dma_wait3A_537 = arith.constant 0 : i32
      %dma_wait3A_538 = arith.constant 0 : i32
      %dma_wait3A_539 = arith.constant 0 : i32
      %dma_wait3A_540 = arith.constant 2 : i32
      %dma_wait3A_541 = arith.constant 0 : i32
      %dma_wait3A_542 = arith.constant 0 : i32
      %dma_wait3A_543 = tpu.memref_slice %arg8[%dma_wait3A_540, %dma_wait3A_541, %dma_wait3A_542] : memref<3x120x128xf32, #tpu.memory_space<vmem>> -> memref<1x120x128xf32, #tpu.memory_space<vmem>>
      %dma_wait3A_544 = tpu.memref_squeeze %dma_wait3A_543 : memref<1x120x128xf32, #tpu.memory_space<vmem>> -> memref<120x128xf32, #tpu.memory_space<vmem>>
      %dma_wait3A_545 = arith.constant 0 : i32
      %dma_wait3A_546 = tpu.memref_slice %arg7[%dma_wait3A_537, %dma_wait3A_538, %dma_wait3A_539, %dma_wait3A_545] : memref<2x6x2x120xi32, #tpu.memory_space<vmem>> -> memref<1x1x1x120xi32, #tpu.memory_space<vmem>>
      %dma_wait3A_547 = tpu.memref_squeeze %dma_wait3A_546 : memref<1x1x1x120xi32, #tpu.memory_space<vmem>> -> memref<120xi32, #tpu.memory_space<vmem>>
      %dma_wait3A_548 = arith.constant 0 : i32
      %dma_wait3A_549 = arith.constant 0 : i32
      %dma_wait3A_550 = tpu.memref_slice %arg2[%dma_wait3A_548, %dma_wait3A_549] : memref<10000x128xf32, #tpu.memory_space<hbm>> -> memref<10000x128xf32, #tpu.memory_space<hbm>>
      tpu.wait_indirect_dma semaphore(%arg11 : memref<!tpu.dma_semaphore, #tpu.memory_space<semaphore_mem>>) src(%dma_wait3A_550 : memref<10000x128xf32, #tpu.memory_space<hbm>>) dst(%dma_wait3A_544 : memref<120x128xf32, #tpu.memory_space<vmem>>)
      %dma_start3A_551 = arith.constant 2 : i32
      %dma_start3A_552 = arith.constant 1 : i32
      %dma_start3A_553 = arith.constant 2 : i32
      %dma_start3A_554 = arith.constant 1 : i32
      %dma_start3A_555 = arith.constant 0 : i32
      %dma_start3A_556 = arith.constant 0 : i32
      %dma_start3A_557 = tpu.memref_slice %arg8[%dma_start3A_551, %dma_start3A_555, %dma_start3A_556] : memref<3x120x128xf32, #tpu.memory_space<vmem>> -> memref<1x120x128xf32, #tpu.memory_space<vmem>>
      %dma_start3A_558 = tpu.memref_squeeze %dma_start3A_557 : memref<1x120x128xf32, #tpu.memory_space<vmem>> -> memref<120x128xf32, #tpu.memory_space<vmem>>
      %dma_start3A_559 = arith.constant 0 : i32
      %dma_start3A_560 = tpu.memref_slice %arg7[%dma_start3A_552, %dma_start3A_553, %dma_start3A_554, %dma_start3A_559] : memref<2x6x2x120xi32, #tpu.memory_space<vmem>> -> memref<1x1x1x120xi32, #tpu.memory_space<vmem>>
      %dma_start3A_561 = tpu.memref_squeeze %dma_start3A_560 : memref<1x1x1x120xi32, #tpu.memory_space<vmem>> -> memref<120xi32, #tpu.memory_space<vmem>>
      %dma_start3A_562 = arith.constant 0 : i32
      %dma_start3A_563 = arith.constant 0 : i32
      %dma_start3A_564 = tpu.memref_slice %arg6[%dma_start3A_562, %dma_start3A_563] : memref<10112x128xf32, #tpu.memory_space<vmem_shared>> -> memref<10112x128xf32, #tpu.memory_space<vmem_shared>>
      tpu.enqueue_indirect_dma source(%dma_start3A_558 : memref<120x128xf32, #tpu.memory_space<vmem>>) target(%dma_start3A_564 : memref<10112x128xf32, #tpu.memory_space<vmem_shared>>) offsets(%dma_start3A_561 : memref<120xi32, #tpu.memory_space<vmem>>) semaphore(%arg16 : memref<!tpu.dma_semaphore, #tpu.memory_space<semaphore_mem>>) {add = true}
      %dma_wait3A_565 = arith.constant 1 : i32
      %dma_wait3A_566 = arith.constant 0 : i32
      %dma_wait3A_567 = arith.constant 0 : i32
      %dma_wait3A_568 = arith.constant 1 : i32
      %dma_wait3A_569 = arith.constant 0 : i32
      %dma_wait3A_570 = arith.constant 0 : i32
      %dma_wait3A_571 = tpu.memref_slice %arg8[%dma_wait3A_565, %dma_wait3A_569, %dma_wait3A_570] : memref<3x120x128xf32, #tpu.memory_space<vmem>> -> memref<1x120x128xf32, #tpu.memory_space<vmem>>
      %dma_wait3A_572 = tpu.memref_squeeze %dma_wait3A_571 : memref<1x120x128xf32, #tpu.memory_space<vmem>> -> memref<120x128xf32, #tpu.memory_space<vmem>>
      %dma_wait3A_573 = arith.constant 0 : i32
      %dma_wait3A_574 = tpu.memref_slice %arg7[%dma_wait3A_566, %dma_wait3A_567, %dma_wait3A_568, %dma_wait3A_573] : memref<2x6x2x120xi32, #tpu.memory_space<vmem>> -> memref<1x1x1x120xi32, #tpu.memory_space<vmem>>
      %dma_wait3A_575 = tpu.memref_squeeze %dma_wait3A_574 : memref<1x1x1x120xi32, #tpu.memory_space<vmem>> -> memref<120xi32, #tpu.memory_space<vmem>>
      %dma_wait3A_576 = arith.constant 0 : i32
      %dma_wait3A_577 = arith.constant 0 : i32
      %dma_wait3A_578 = tpu.memref_slice %arg6[%dma_wait3A_576, %dma_wait3A_577] : memref<10112x128xf32, #tpu.memory_space<vmem_shared>> -> memref<10112x128xf32, #tpu.memory_space<vmem_shared>>
      tpu.wait_indirect_dma semaphore(%arg15 : memref<!tpu.dma_semaphore, #tpu.memory_space<semaphore_mem>>) src(%dma_wait3A_572 : memref<120x128xf32, #tpu.memory_space<vmem>>) dst(%dma_wait3A_578 : memref<10112x128xf32, #tpu.memory_space<vmem_shared>>)
      %dma_start3A_579 = arith.constant 1 : i32
      %dma_start3A_580 = arith.constant 4 : i32
      %dma_start3A_581 = arith.constant 0 : i32
      %dma_start3A_582 = arith.constant 1 : i32
      %dma_start3A_583 = arith.constant 0 : i32
      %dma_start3A_584 = arith.constant 0 : i32
      %dma_start3A_585 = tpu.memref_slice %arg8[%dma_start3A_582, %dma_start3A_583, %dma_start3A_584] : memref<3x120x128xf32, #tpu.memory_space<vmem>> -> memref<1x120x128xf32, #tpu.memory_space<vmem>>
      %dma_start3A_586 = tpu.memref_squeeze %dma_start3A_585 : memref<1x120x128xf32, #tpu.memory_space<vmem>> -> memref<120x128xf32, #tpu.memory_space<vmem>>
      %dma_start3A_587 = arith.constant 0 : i32
      %dma_start3A_588 = tpu.memref_slice %arg7[%dma_start3A_579, %dma_start3A_580, %dma_start3A_581, %dma_start3A_587] : memref<2x6x2x120xi32, #tpu.memory_space<vmem>> -> memref<1x1x1x120xi32, #tpu.memory_space<vmem>>
      %dma_start3A_589 = tpu.memref_squeeze %dma_start3A_588 : memref<1x1x1x120xi32, #tpu.memory_space<vmem>> -> memref<120xi32, #tpu.memory_space<vmem>>
      %dma_start3A_590 = arith.constant 0 : i32
      %dma_start3A_591 = arith.constant 0 : i32
      %dma_start3A_592 = tpu.memref_slice %arg2[%dma_start3A_590, %dma_start3A_591] : memref<10000x128xf32, #tpu.memory_space<hbm>> -> memref<10000x128xf32, #tpu.memory_space<hbm>>
      tpu.enqueue_indirect_dma source(%dma_start3A_592 : memref<10000x128xf32, #tpu.memory_space<hbm>>) target(%dma_start3A_586 : memref<120x128xf32, #tpu.memory_space<vmem>>) offsets(%dma_start3A_589 : memref<120xi32, #tpu.memory_space<vmem>>) semaphore(%arg10 : memref<!tpu.dma_semaphore, #tpu.memory_space<semaphore_mem>>)
      %dma_wait3A_593 = arith.constant 0 : i32
      %dma_wait3A_594 = arith.constant 0 : i32
      %dma_wait3A_595 = arith.constant 0 : i32
      %dma_wait3A_596 = arith.constant 0 : i32
      %dma_wait3A_597 = arith.constant 0 : i32
      %dma_wait3A_598 = arith.constant 0 : i32
      %dma_wait3A_599 = tpu.memref_slice %arg8[%dma_wait3A_596, %dma_wait3A_597, %dma_wait3A_598] : memref<3x120x128xf32, #tpu.memory_space<vmem>> -> memref<1x120x128xf32, #tpu.memory_space<vmem>>
      %dma_wait3A_600 = tpu.memref_squeeze %dma_wait3A_599 : memref<1x120x128xf32, #tpu.memory_space<vmem>> -> memref<120x128xf32, #tpu.memory_space<vmem>>
      %dma_wait3A_601 = arith.constant 0 : i32
      %dma_wait3A_602 = tpu.memref_slice %arg7[%dma_wait3A_593, %dma_wait3A_594, %dma_wait3A_595, %dma_wait3A_601] : memref<2x6x2x120xi32, #tpu.memory_space<vmem>> -> memref<1x1x1x120xi32, #tpu.memory_space<vmem>>
      %dma_wait3A_603 = tpu.memref_squeeze %dma_wait3A_602 : memref<1x1x1x120xi32, #tpu.memory_space<vmem>> -> memref<120xi32, #tpu.memory_space<vmem>>
      %dma_wait3A_604 = arith.constant 0 : i32
      %dma_wait3A_605 = arith.constant 0 : i32
      %dma_wait3A_606 = tpu.memref_slice %arg2[%dma_wait3A_604, %dma_wait3A_605] : memref<10000x128xf32, #tpu.memory_space<hbm>> -> memref<10000x128xf32, #tpu.memory_space<hbm>>
      tpu.wait_indirect_dma semaphore(%arg9 : memref<!tpu.dma_semaphore, #tpu.memory_space<semaphore_mem>>) src(%dma_wait3A_606 : memref<10000x128xf32, #tpu.memory_space<hbm>>) dst(%dma_wait3A_600 : memref<120x128xf32, #tpu.memory_space<vmem>>)
      %dma_start3A_607 = arith.constant 0 : i32
      %dma_start3A_608 = arith.constant 1 : i32
      %dma_start3A_609 = arith.constant 3 : i32
      %dma_start3A_610 = arith.constant 1 : i32
      %dma_start3A_611 = arith.constant 0 : i32
      %dma_start3A_612 = arith.constant 0 : i32
      %dma_start3A_613 = tpu.memref_slice %arg8[%dma_start3A_607, %dma_start3A_611, %dma_start3A_612] : memref<3x120x128xf32, #tpu.memory_space<vmem>> -> memref<1x120x128xf32, #tpu.memory_space<vmem>>
      %dma_start3A_614 = tpu.memref_squeeze %dma_start3A_613 : memref<1x120x128xf32, #tpu.memory_space<vmem>> -> memref<120x128xf32, #tpu.memory_space<vmem>>
      %dma_start3A_615 = arith.constant 0 : i32
      %dma_start3A_616 = tpu.memref_slice %arg7[%dma_start3A_608, %dma_start3A_609, %dma_start3A_610, %dma_start3A_615] : memref<2x6x2x120xi32, #tpu.memory_space<vmem>> -> memref<1x1x1x120xi32, #tpu.memory_space<vmem>>
      %dma_start3A_617 = tpu.memref_squeeze %dma_start3A_616 : memref<1x1x1x120xi32, #tpu.memory_space<vmem>> -> memref<120xi32, #tpu.memory_space<vmem>>
      %dma_start3A_618 = arith.constant 0 : i32
      %dma_start3A_619 = arith.constant 0 : i32
      %dma_start3A_620 = tpu.memref_slice %arg6[%dma_start3A_618, %dma_start3A_619] : memref<10112x128xf32, #tpu.memory_space<vmem_shared>> -> memref<10112x128xf32, #tpu.memory_space<vmem_shared>>
      tpu.enqueue_indirect_dma source(%dma_start3A_614 : memref<120x128xf32, #tpu.memory_space<vmem>>) target(%dma_start3A_620 : memref<10112x128xf32, #tpu.memory_space<vmem_shared>>) offsets(%dma_start3A_617 : memref<120xi32, #tpu.memory_space<vmem>>) semaphore(%arg14 : memref<!tpu.dma_semaphore, #tpu.memory_space<semaphore_mem>>) {add = true}
      %dma_wait3A_621 = arith.constant 2 : i32
      %dma_wait3A_622 = arith.constant 0 : i32
      %dma_wait3A_623 = arith.constant 0 : i32
      %dma_wait3A_624 = arith.constant 1 : i32
      %dma_wait3A_625 = arith.constant 0 : i32
      %dma_wait3A_626 = arith.constant 0 : i32
      %dma_wait3A_627 = tpu.memref_slice %arg8[%dma_wait3A_621, %dma_wait3A_625, %dma_wait3A_626] : memref<3x120x128xf32, #tpu.memory_space<vmem>> -> memref<1x120x128xf32, #tpu.memory_space<vmem>>
      %dma_wait3A_628 = tpu.memref_squeeze %dma_wait3A_627 : memref<1x120x128xf32, #tpu.memory_space<vmem>> -> memref<120x128xf32, #tpu.memory_space<vmem>>
      %dma_wait3A_629 = arith.constant 0 : i32
      %dma_wait3A_630 = tpu.memref_slice %arg7[%dma_wait3A_622, %dma_wait3A_623, %dma_wait3A_624, %dma_wait3A_629] : memref<2x6x2x120xi32, #tpu.memory_space<vmem>> -> memref<1x1x1x120xi32, #tpu.memory_space<vmem>>
      %dma_wait3A_631 = tpu.memref_squeeze %dma_wait3A_630 : memref<1x1x1x120xi32, #tpu.memory_space<vmem>> -> memref<120xi32, #tpu.memory_space<vmem>>
      %dma_wait3A_632 = arith.constant 0 : i32
      %dma_wait3A_633 = arith.constant 0 : i32
      %dma_wait3A_634 = tpu.memref_slice %arg6[%dma_wait3A_632, %dma_wait3A_633] : memref<10112x128xf32, #tpu.memory_space<vmem_shared>> -> memref<10112x128xf32, #tpu.memory_space<vmem_shared>>
      tpu.wait_indirect_dma semaphore(%arg16 : memref<!tpu.dma_semaphore, #tpu.memory_space<semaphore_mem>>) src(%dma_wait3A_628 : memref<120x128xf32, #tpu.memory_space<vmem>>) dst(%dma_wait3A_634 : memref<10112x128xf32, #tpu.memory_space<vmem_shared>>)
      %dma_start3A_635 = arith.constant 1 : i32
      %dma_start3A_636 = arith.constant 5 : i32
      %dma_start3A_637 = arith.constant 0 : i32
      %dma_start3A_638 = arith.constant 2 : i32
      %dma_start3A_639 = arith.constant 0 : i32
      %dma_start3A_640 = arith.constant 0 : i32
      %dma_start3A_641 = tpu.memref_slice %arg8[%dma_start3A_638, %dma_start3A_639, %dma_start3A_640] : memref<3x120x128xf32, #tpu.memory_space<vmem>> -> memref<1x120x128xf32, #tpu.memory_space<vmem>>
      %dma_start3A_642 = tpu.memref_squeeze %dma_start3A_641 : memref<1x120x128xf32, #tpu.memory_space<vmem>> -> memref<120x128xf32, #tpu.memory_space<vmem>>
      %dma_start3A_643 = arith.constant 0 : i32
      %dma_start3A_644 = tpu.memref_slice %arg7[%dma_start3A_635, %dma_start3A_636, %dma_start3A_637, %dma_start3A_643] : memref<2x6x2x120xi32, #tpu.memory_space<vmem>> -> memref<1x1x1x120xi32, #tpu.memory_space<vmem>>
      %dma_start3A_645 = tpu.memref_squeeze %dma_start3A_644 : memref<1x1x1x120xi32, #tpu.memory_space<vmem>> -> memref<120xi32, #tpu.memory_space<vmem>>
      %dma_start3A_646 = arith.constant 0 : i32
      %dma_start3A_647 = arith.constant 0 : i32
      %dma_start3A_648 = tpu.memref_slice %arg2[%dma_start3A_646, %dma_start3A_647] : memref<10000x128xf32, #tpu.memory_space<hbm>> -> memref<10000x128xf32, #tpu.memory_space<hbm>>
      tpu.enqueue_indirect_dma source(%dma_start3A_648 : memref<10000x128xf32, #tpu.memory_space<hbm>>) target(%dma_start3A_642 : memref<120x128xf32, #tpu.memory_space<vmem>>) offsets(%dma_start3A_645 : memref<120xi32, #tpu.memory_space<vmem>>) semaphore(%arg11 : memref<!tpu.dma_semaphore, #tpu.memory_space<semaphore_mem>>)
      %dma_wait3A_649 = arith.constant 0 : i32
      %dma_wait3A_650 = arith.constant 0 : i32
      %dma_wait3A_651 = arith.constant 0 : i32
      %dma_wait3A_652 = arith.constant 1 : i32
      %dma_wait3A_653 = arith.constant 0 : i32
      %dma_wait3A_654 = arith.constant 0 : i32
      %dma_wait3A_655 = tpu.memref_slice %arg8[%dma_wait3A_652, %dma_wait3A_653, %dma_wait3A_654] : memref<3x120x128xf32, #tpu.memory_space<vmem>> -> memref<1x120x128xf32, #tpu.memory_space<vmem>>
      %dma_wait3A_656 = tpu.memref_squeeze %dma_wait3A_655 : memref<1x120x128xf32, #tpu.memory_space<vmem>> -> memref<120x128xf32, #tpu.memory_space<vmem>>
      %dma_wait3A_657 = arith.constant 0 : i32
      %dma_wait3A_658 = tpu.memref_slice %arg7[%dma_wait3A_649, %dma_wait3A_650, %dma_wait3A_651, %dma_wait3A_657] : memref<2x6x2x120xi32, #tpu.memory_space<vmem>> -> memref<1x1x1x120xi32, #tpu.memory_space<vmem>>
      %dma_wait3A_659 = tpu.memref_squeeze %dma_wait3A_658 : memref<1x1x1x120xi32, #tpu.memory_space<vmem>> -> memref<120xi32, #tpu.memory_space<vmem>>
      %dma_wait3A_660 = arith.constant 0 : i32
      %dma_wait3A_661 = arith.constant 0 : i32
      %dma_wait3A_662 = tpu.memref_slice %arg2[%dma_wait3A_660, %dma_wait3A_661] : memref<10000x128xf32, #tpu.memory_space<hbm>> -> memref<10000x128xf32, #tpu.memory_space<hbm>>
      tpu.wait_indirect_dma semaphore(%arg10 : memref<!tpu.dma_semaphore, #tpu.memory_space<semaphore_mem>>) src(%dma_wait3A_662 : memref<10000x128xf32, #tpu.memory_space<hbm>>) dst(%dma_wait3A_656 : memref<120x128xf32, #tpu.memory_space<vmem>>)
      %dma_start3A_663 = arith.constant 1 : i32
      %dma_start3A_664 = arith.constant 1 : i32
      %dma_start3A_665 = arith.constant 4 : i32
      %dma_start3A_666 = arith.constant 1 : i32
      %dma_start3A_667 = arith.constant 0 : i32
      %dma_start3A_668 = arith.constant 0 : i32
      %dma_start3A_669 = tpu.memref_slice %arg8[%dma_start3A_663, %dma_start3A_667, %dma_start3A_668] : memref<3x120x128xf32, #tpu.memory_space<vmem>> -> memref<1x120x128xf32, #tpu.memory_space<vmem>>
      %dma_start3A_670 = tpu.memref_squeeze %dma_start3A_669 : memref<1x120x128xf32, #tpu.memory_space<vmem>> -> memref<120x128xf32, #tpu.memory_space<vmem>>
      %dma_start3A_671 = arith.constant 0 : i32
      %dma_start3A_672 = tpu.memref_slice %arg7[%dma_start3A_664, %dma_start3A_665, %dma_start3A_666, %dma_start3A_671] : memref<2x6x2x120xi32, #tpu.memory_space<vmem>> -> memref<1x1x1x120xi32, #tpu.memory_space<vmem>>
      %dma_start3A_673 = tpu.memref_squeeze %dma_start3A_672 : memref<1x1x1x120xi32, #tpu.memory_space<vmem>> -> memref<120xi32, #tpu.memory_space<vmem>>
      %dma_start3A_674 = arith.constant 0 : i32
      %dma_start3A_675 = arith.constant 0 : i32
      %dma_start3A_676 = tpu.memref_slice %arg6[%dma_start3A_674, %dma_start3A_675] : memref<10112x128xf32, #tpu.memory_space<vmem_shared>> -> memref<10112x128xf32, #tpu.memory_space<vmem_shared>>
      tpu.enqueue_indirect_dma source(%dma_start3A_670 : memref<120x128xf32, #tpu.memory_space<vmem>>) target(%dma_start3A_676 : memref<10112x128xf32, #tpu.memory_space<vmem_shared>>) offsets(%dma_start3A_673 : memref<120xi32, #tpu.memory_space<vmem>>) semaphore(%arg15 : memref<!tpu.dma_semaphore, #tpu.memory_space<semaphore_mem>>) {add = true}
      %dma_wait3A_677 = arith.constant 0 : i32
      %dma_wait3A_678 = arith.constant 0 : i32
      %dma_wait3A_679 = arith.constant 0 : i32
      %dma_wait3A_680 = arith.constant 1 : i32
      %dma_wait3A_681 = arith.constant 0 : i32
      %dma_wait3A_682 = arith.constant 0 : i32
      %dma_wait3A_683 = tpu.memref_slice %arg8[%dma_wait3A_677, %dma_wait3A_681, %dma_wait3A_682] : memref<3x120x128xf32, #tpu.memory_space<vmem>> -> memref<1x120x128xf32, #tpu.memory_space<vmem>>
      %dma_wait3A_684 = tpu.memref_squeeze %dma_wait3A_683 : memref<1x120x128xf32, #tpu.memory_space<vmem>> -> memref<120x128xf32, #tpu.memory_space<vmem>>
      %dma_wait3A_685 = arith.constant 0 : i32
      %dma_wait3A_686 = tpu.memref_slice %arg7[%dma_wait3A_678, %dma_wait3A_679, %dma_wait3A_680, %dma_wait3A_685] : memref<2x6x2x120xi32, #tpu.memory_space<vmem>> -> memref<1x1x1x120xi32, #tpu.memory_space<vmem>>
      %dma_wait3A_687 = tpu.memref_squeeze %dma_wait3A_686 : memref<1x1x1x120xi32, #tpu.memory_space<vmem>> -> memref<120xi32, #tpu.memory_space<vmem>>
      %dma_wait3A_688 = arith.constant 0 : i32
      %dma_wait3A_689 = arith.constant 0 : i32
      %dma_wait3A_690 = tpu.memref_slice %arg6[%dma_wait3A_688, %dma_wait3A_689] : memref<10112x128xf32, #tpu.memory_space<vmem_shared>> -> memref<10112x128xf32, #tpu.memory_space<vmem_shared>>
      tpu.wait_indirect_dma semaphore(%arg14 : memref<!tpu.dma_semaphore, #tpu.memory_space<semaphore_mem>>) src(%dma_wait3A_684 : memref<120x128xf32, #tpu.memory_space<vmem>>) dst(%dma_wait3A_690 : memref<10112x128xf32, #tpu.memory_space<vmem_shared>>)
      %lt3A_691 = arith.constant 27 : i32
      %lt3A_692 = arith.cmpi slt, %add3A_425, %lt3A_691 : i32
      %convert_element_type3A_693 = arith.extui %lt3A_692 : i1 to i32
      %cond3A_694 = arith.constant 0 : i32
      %cond3A_695 = arith.cmpi ne, %convert_element_type3A_693, %cond3A_694 : i32
      scf.if %cond3A_695 {
        %dma_wait3A_743 = arith.constant 0 : i32
        %dma_wait3A_744 = arith.constant 0 : i32
        %dma_wait3A_745 = arith.constant 0 : i32
        %dma_wait3A_746 = arith.constant 0 : i32
        %dma_wait3A_747 = tpu.memref_slice %arg7[%dma_wait3A_743, %dma_wait3A_744, %dma_wait3A_745, %dma_wait3A_746] : memref<2x6x2x120xi32, #tpu.memory_space<vmem>> -> memref<1x6x2x120xi32, #tpu.memory_space<vmem>>
        %dma_wait3A_748 = tpu.memref_squeeze %dma_wait3A_747 : memref<1x6x2x120xi32, #tpu.memory_space<vmem>> -> memref<6x2x120xi32, #tpu.memory_space<vmem>>
        %dma_wait3A_749 = arith.constant 0 : i32
        %dma_wait3A_750 = arith.constant 0 : i32
        %dma_wait3A_751 = tpu.memref_slice %arg3[%mul3A_2, %dma_wait3A_749, %dma_wait3A_750] : memref<5376x2x120xi32, #tpu.memory_space<hbm>> -> memref<6x2x120xi32, #tpu.memory_space<hbm>>
        %dma_wait3A_752 = arith.constant 0 : i32
        %dma_wait3A_753 = arith.constant 0 : i32
        %dma_wait3A_754 = arith.constant 0 : i32
        %dma_wait3A_755 = tpu.memref_slice %arg7[%dma_wait3A_743, %dma_wait3A_752, %dma_wait3A_753, %dma_wait3A_754] : memref<2x6x2x120xi32, #tpu.memory_space<vmem>> -> memref<1x6x2x120xi32, #tpu.memory_space<vmem>>
        %dma_wait3A_756 = tpu.memref_squeeze %dma_wait3A_755 : memref<1x6x2x120xi32, #tpu.memory_space<vmem>> -> memref<6x2x120xi32, #tpu.memory_space<vmem>>
        %dma_wait3A_757 = arith.constant 0 : i32
        %dma_wait3A_758 = arith.constant 0 : i32
        %dma_wait3A_759 = tpu.memref_slice %arg3[%mul3A_2, %dma_wait3A_757, %dma_wait3A_758] : memref<5376x2x120xi32, #tpu.memory_space<hbm>> -> memref<6x2x120xi32, #tpu.memory_space<hbm>>
        tpu.wait_dma2 semaphore(%arg12 : memref<!tpu.dma_semaphore, #tpu.memory_space<semaphore_mem>>) src(%dma_wait3A_759 : memref<6x2x120xi32, #tpu.memory_space<hbm>>) dst(%dma_wait3A_756 : memref<6x2x120xi32, #tpu.memory_space<vmem>>)
        %dma_start3A_760 = arith.constant 0 : i32
        %dma_start3A_761 = arith.constant 0 : i32
        %dma_start3A_762 = arith.constant 0 : i32
        %dma_start3A_763 = arith.constant 0 : i32
        %dma_start3A_764 = arith.constant 0 : i32
        %dma_start3A_765 = arith.constant 0 : i32
        %dma_start3A_766 = tpu.memref_slice %arg8[%dma_start3A_763, %dma_start3A_764, %dma_start3A_765] : memref<3x120x128xf32, #tpu.memory_space<vmem>> -> memref<1x120x128xf32, #tpu.memory_space<vmem>>
        %dma_start3A_767 = tpu.memref_squeeze %dma_start3A_766 : memref<1x120x128xf32, #tpu.memory_space<vmem>> -> memref<120x128xf32, #tpu.memory_space<vmem>>
        %dma_start3A_768 = arith.constant 0 : i32
        %dma_start3A_769 = tpu.memref_slice %arg7[%dma_start3A_760, %dma_start3A_761, %dma_start3A_762, %dma_start3A_768] : memref<2x6x2x120xi32, #tpu.memory_space<vmem>> -> memref<1x1x1x120xi32, #tpu.memory_space<vmem>>
        %dma_start3A_770 = tpu.memref_squeeze %dma_start3A_769 : memref<1x1x1x120xi32, #tpu.memory_space<vmem>> -> memref<120xi32, #tpu.memory_space<vmem>>
        %dma_start3A_771 = arith.constant 0 : i32
        %dma_start3A_772 = arith.constant 0 : i32
        %dma_start3A_773 = tpu.memref_slice %arg2[%dma_start3A_771, %dma_start3A_772] : memref<10000x128xf32, #tpu.memory_space<hbm>> -> memref<10000x128xf32, #tpu.memory_space<hbm>>
        tpu.enqueue_indirect_dma source(%dma_start3A_773 : memref<10000x128xf32, #tpu.memory_space<hbm>>) target(%dma_start3A_767 : memref<120x128xf32, #tpu.memory_space<vmem>>) offsets(%dma_start3A_770 : memref<120xi32, #tpu.memory_space<vmem>>) semaphore(%arg9 : memref<!tpu.dma_semaphore, #tpu.memory_space<semaphore_mem>>)
      } else {
      }
      %dma_wait3A_696 = arith.constant 0 : i32
      %dma_wait3A_697 = arith.constant 0 : i32
      %dma_wait3A_698 = arith.constant 0 : i32
      %dma_wait3A_699 = arith.constant 2 : i32
      %dma_wait3A_700 = arith.constant 0 : i32
      %dma_wait3A_701 = arith.constant 0 : i32
      %dma_wait3A_702 = tpu.memref_slice %arg8[%dma_wait3A_699, %dma_wait3A_700, %dma_wait3A_701] : memref<3x120x128xf32, #tpu.memory_space<vmem>> -> memref<1x120x128xf32, #tpu.memory_space<vmem>>
      %dma_wait3A_703 = tpu.memref_squeeze %dma_wait3A_702 : memref<1x120x128xf32, #tpu.memory_space<vmem>> -> memref<120x128xf32, #tpu.memory_space<vmem>>
      %dma_wait3A_704 = arith.constant 0 : i32
      %dma_wait3A_705 = tpu.memref_slice %arg7[%dma_wait3A_696, %dma_wait3A_697, %dma_wait3A_698, %dma_wait3A_704] : memref<2x6x2x120xi32, #tpu.memory_space<vmem>> -> memref<1x1x1x120xi32, #tpu.memory_space<vmem>>
      %dma_wait3A_706 = tpu.memref_squeeze %dma_wait3A_705 : memref<1x1x1x120xi32, #tpu.memory_space<vmem>> -> memref<120xi32, #tpu.memory_space<vmem>>
      %dma_wait3A_707 = arith.constant 0 : i32
      %dma_wait3A_708 = arith.constant 0 : i32
      %dma_wait3A_709 = tpu.memref_slice %arg2[%dma_wait3A_707, %dma_wait3A_708] : memref<10000x128xf32, #tpu.memory_space<hbm>> -> memref<10000x128xf32, #tpu.memory_space<hbm>>
      tpu.wait_indirect_dma semaphore(%arg11 : memref<!tpu.dma_semaphore, #tpu.memory_space<semaphore_mem>>) src(%dma_wait3A_709 : memref<10000x128xf32, #tpu.memory_space<hbm>>) dst(%dma_wait3A_703 : memref<120x128xf32, #tpu.memory_space<vmem>>)
      %dma_start3A_710 = arith.constant 2 : i32
      %dma_start3A_711 = arith.constant 1 : i32
      %dma_start3A_712 = arith.constant 5 : i32
      %dma_start3A_713 = arith.constant 1 : i32
      %dma_start3A_714 = arith.constant 0 : i32
      %dma_start3A_715 = arith.constant 0 : i32
      %dma_start3A_716 = tpu.memref_slice %arg8[%dma_start3A_710, %dma_start3A_714, %dma_start3A_715] : memref<3x120x128xf32, #tpu.memory_space<vmem>> -> memref<1x120x128xf32, #tpu.memory_space<vmem>>
      %dma_start3A_717 = tpu.memref_squeeze %dma_start3A_716 : memref<1x120x128xf32, #tpu.memory_space<vmem>> -> memref<120x128xf32, #tpu.memory_space<vmem>>
      %dma_start3A_718 = arith.constant 0 : i32
      %dma_start3A_719 = tpu.memref_slice %arg7[%dma_start3A_711, %dma_start3A_712, %dma_start3A_713, %dma_start3A_718] : memref<2x6x2x120xi32, #tpu.memory_space<vmem>> -> memref<1x1x1x120xi32, #tpu.memory_space<vmem>>
      %dma_start3A_720 = tpu.memref_squeeze %dma_start3A_719 : memref<1x1x1x120xi32, #tpu.memory_space<vmem>> -> memref<120xi32, #tpu.memory_space<vmem>>
      %dma_start3A_721 = arith.constant 0 : i32
      %dma_start3A_722 = arith.constant 0 : i32
      %dma_start3A_723 = tpu.memref_slice %arg6[%dma_start3A_721, %dma_start3A_722] : memref<10112x128xf32, #tpu.memory_space<vmem_shared>> -> memref<10112x128xf32, #tpu.memory_space<vmem_shared>>
      tpu.enqueue_indirect_dma source(%dma_start3A_717 : memref<120x128xf32, #tpu.memory_space<vmem>>) target(%dma_start3A_723 : memref<10112x128xf32, #tpu.memory_space<vmem_shared>>) offsets(%dma_start3A_720 : memref<120xi32, #tpu.memory_space<vmem>>) semaphore(%arg16 : memref<!tpu.dma_semaphore, #tpu.memory_space<semaphore_mem>>) {add = true}
      %dma_wait3A_724 = arith.constant 1 : i32
      %dma_wait3A_725 = arith.constant 0 : i32
      %dma_wait3A_726 = arith.constant 0 : i32
      %dma_wait3A_727 = arith.constant 1 : i32
      %dma_wait3A_728 = arith.constant 0 : i32
      %dma_wait3A_729 = arith.constant 0 : i32
      %dma_wait3A_730 = tpu.memref_slice %arg8[%dma_wait3A_724, %dma_wait3A_728, %dma_wait3A_729] : memref<3x120x128xf32, #tpu.memory_space<vmem>> -> memref<1x120x128xf32, #tpu.memory_space<vmem>>
      %dma_wait3A_731 = tpu.memref_squeeze %dma_wait3A_730 : memref<1x120x128xf32, #tpu.memory_space<vmem>> -> memref<120x128xf32, #tpu.memory_space<vmem>>
      %dma_wait3A_732 = arith.constant 0 : i32
      %dma_wait3A_733 = tpu.memref_slice %arg7[%dma_wait3A_725, %dma_wait3A_726, %dma_wait3A_727, %dma_wait3A_732] : memref<2x6x2x120xi32, #tpu.memory_space<vmem>> -> memref<1x1x1x120xi32, #tpu.memory_space<vmem>>
      %dma_wait3A_734 = tpu.memref_squeeze %dma_wait3A_733 : memref<1x1x1x120xi32, #tpu.memory_space<vmem>> -> memref<120xi32, #tpu.memory_space<vmem>>
      %dma_wait3A_735 = arith.constant 0 : i32
      %dma_wait3A_736 = arith.constant 0 : i32
      %dma_wait3A_737 = tpu.memref_slice %arg6[%dma_wait3A_735, %dma_wait3A_736] : memref<10112x128xf32, #tpu.memory_space<vmem_shared>> -> memref<10112x128xf32, #tpu.memory_space<vmem_shared>>
      tpu.wait_indirect_dma semaphore(%arg15 : memref<!tpu.dma_semaphore, #tpu.memory_space<semaphore_mem>>) src(%dma_wait3A_731 : memref<120x128xf32, #tpu.memory_space<vmem>>) dst(%dma_wait3A_737 : memref<10112x128xf32, #tpu.memory_space<vmem_shared>>)
      %lt3A_738 = arith.constant 27 : i32
      %lt3A_739 = arith.cmpi slt, %add3A_425, %lt3A_738 : i32
      %convert_element_type3A_740 = arith.extui %lt3A_739 : i1 to i32
      %cond3A_741 = arith.constant 0 : i32
      %cond3A_742 = arith.cmpi ne, %convert_element_type3A_740, %cond3A_741 : i32
      scf.if %cond3A_742 {
        %dma_start3A_743 = arith.constant 0 : i32
        %dma_start3A_744 = arith.constant 1 : i32
        %dma_start3A_745 = arith.constant 0 : i32
        %dma_start3A_746 = arith.constant 1 : i32
        %dma_start3A_747 = arith.constant 0 : i32
        %dma_start3A_748 = arith.constant 0 : i32
        %dma_start3A_749 = tpu.memref_slice %arg8[%dma_start3A_746, %dma_start3A_747, %dma_start3A_748] : memref<3x120x128xf32, #tpu.memory_space<vmem>> -> memref<1x120x128xf32, #tpu.memory_space<vmem>>
        %dma_start3A_750 = tpu.memref_squeeze %dma_start3A_749 : memref<1x120x128xf32, #tpu.memory_space<vmem>> -> memref<120x128xf32, #tpu.memory_space<vmem>>
        %dma_start3A_751 = arith.constant 0 : i32
        %dma_start3A_752 = tpu.memref_slice %arg7[%dma_start3A_743, %dma_start3A_744, %dma_start3A_745, %dma_start3A_751] : memref<2x6x2x120xi32, #tpu.memory_space<vmem>> -> memref<1x1x1x120xi32, #tpu.memory_space<vmem>>
        %dma_start3A_753 = tpu.memref_squeeze %dma_start3A_752 : memref<1x1x1x120xi32, #tpu.memory_space<vmem>> -> memref<120xi32, #tpu.memory_space<vmem>>
        %dma_start3A_754 = arith.constant 0 : i32
        %dma_start3A_755 = arith.constant 0 : i32
        %dma_start3A_756 = tpu.memref_slice %arg2[%dma_start3A_754, %dma_start3A_755] : memref<10000x128xf32, #tpu.memory_space<hbm>> -> memref<10000x128xf32, #tpu.memory_space<hbm>>
        tpu.enqueue_indirect_dma source(%dma_start3A_756 : memref<10000x128xf32, #tpu.memory_space<hbm>>) target(%dma_start3A_750 : memref<120x128xf32, #tpu.memory_space<vmem>>) offsets(%dma_start3A_753 : memref<120xi32, #tpu.memory_space<vmem>>) semaphore(%arg10 : memref<!tpu.dma_semaphore, #tpu.memory_space<semaphore_mem>>)
      } else {
      }
    }
    %scan3A_90 = arith.constant 14 : i32
    %dma_wait3A_91 = arith.constant 2 : i32
    %dma_wait3A_92 = arith.constant 0 : i32
    %dma_wait3A_93 = arith.constant 0 : i32
    %dma_wait3A_94 = arith.constant 1 : i32
    %dma_wait3A_95 = arith.constant 0 : i32
    %dma_wait3A_96 = arith.constant 0 : i32
    %dma_wait3A_97 = tpu.memref_slice %arg8[%dma_wait3A_91, %dma_wait3A_95, %dma_wait3A_96] : memref<3x120x128xf32, #tpu.memory_space<vmem>> -> memref<1x120x128xf32, #tpu.memory_space<vmem>>
    %dma_wait3A_98 = tpu.memref_squeeze %dma_wait3A_97 : memref<1x120x128xf32, #tpu.memory_space<vmem>> -> memref<120x128xf32, #tpu.memory_space<vmem>>
    %dma_wait3A_99 = arith.constant 0 : i32
    %dma_wait3A_100 = tpu.memref_slice %arg7[%dma_wait3A_92, %dma_wait3A_93, %dma_wait3A_94, %dma_wait3A_99] : memref<2x6x2x120xi32, #tpu.memory_space<vmem>> -> memref<1x1x1x120xi32, #tpu.memory_space<vmem>>
    %dma_wait3A_101 = tpu.memref_squeeze %dma_wait3A_100 : memref<1x1x1x120xi32, #tpu.memory_space<vmem>> -> memref<120xi32, #tpu.memory_space<vmem>>
    %dma_wait3A_102 = arith.constant 0 : i32
    %dma_wait3A_103 = arith.constant 0 : i32
    %dma_wait3A_104 = tpu.memref_slice %arg6[%dma_wait3A_102, %dma_wait3A_103] : memref<10112x128xf32, #tpu.memory_space<vmem_shared>> -> memref<10112x128xf32, #tpu.memory_space<vmem_shared>>
    tpu.wait_indirect_dma semaphore(%arg16 : memref<!tpu.dma_semaphore, #tpu.memory_space<semaphore_mem>>) src(%dma_wait3A_98 : memref<120x128xf32, #tpu.memory_space<vmem>>) dst(%dma_wait3A_104 : memref<10112x128xf32, #tpu.memory_space<vmem_shared>>)
    %barrier3A_105 = arith.constant 0 : index
    tpu.barrier barrier_id(%barrier3A_105)
    "tpu.region"() ({
      %run_scoped3A = tpu.sem_alloc : memref<!tpu.dma_semaphore, #tpu.memory_space<semaphore_mem>>
      %dma_start3A_106 = arith.constant 0 : i32
      %dma_start3A_107 = tpu.memref_slice %arg5[%arg0, %mul3A_41, %dma_start3A_106] : memref<2x10112x128xf32, #tpu.memory_space<hbm>> -> memref<1x632x128xf32, #tpu.memory_space<hbm>>
      %dma_start3A_108 = tpu.memref_squeeze %dma_start3A_107 : memref<1x632x128xf32, #tpu.memory_space<hbm>> -> memref<632x128xf32, #tpu.memory_space<hbm>>
      %dma_start3A_109 = arith.constant 0 : i32
      %dma_start3A_110 = tpu.memref_slice %arg6[%mul3A_41, %dma_start3A_109] : memref<10112x128xf32, #tpu.memory_space<vmem_shared>> -> memref<632x128xf32, #tpu.memory_space<vmem_shared>>
      tpu.enqueue_dma source(%dma_start3A_110 : memref<632x128xf32, #tpu.memory_space<vmem_shared>>) target(%dma_start3A_108 : memref<632x128xf32, #tpu.memory_space<hbm>>) target_semaphore(%run_scoped3A : memref<!tpu.dma_semaphore, #tpu.memory_space<semaphore_mem>>)
      %dma_wait3A_111 = arith.constant 0 : i32
      %dma_wait3A_112 = tpu.memref_slice %arg5[%arg0, %mul3A_41, %dma_wait3A_111] : memref<2x10112x128xf32, #tpu.memory_space<hbm>> -> memref<1x632x128xf32, #tpu.memory_space<hbm>>
      %dma_wait3A_113 = tpu.memref_squeeze %dma_wait3A_112 : memref<1x632x128xf32, #tpu.memory_space<hbm>> -> memref<632x128xf32, #tpu.memory_space<hbm>>
      %dma_wait3A_114 = arith.constant 0 : i32
      %dma_wait3A_115 = tpu.memref_slice %arg6[%mul3A_41, %dma_wait3A_114] : memref<10112x128xf32, #tpu.memory_space<vmem_shared>> -> memref<632x128xf32, #tpu.memory_space<vmem_shared>>
      tpu.wait_dma2 semaphore(%run_scoped3A : memref<!tpu.dma_semaphore, #tpu.memory_space<semaphore_mem>>) src(%dma_wait3A_115 : memref<632x128xf32, #tpu.memory_space<vmem_shared>>) dst(%dma_wait3A_113 : memref<632x128xf32, #tpu.memory_space<hbm>>)
      tpu.yield
    }) : () -> ()
    return
  }
}

module attributes {stable_mosaic.version = 14 : i64} {
  func.func @_tc_self_body(%arg0: i32, %arg1: memref<2000x128xf32, #tpu.memory_space<vmem>>, %arg2: memref<128x128xf32, #tpu.memory_space<vmem>>, %arg3: memref<1x128xf32, #tpu.memory_space<vmem>>, %arg4: memref<2000x128xf32, #tpu.memory_space<vmem>>) attributes {dimension_semantics = [#tpu.dimension_semantics<arbitrary>], iteration_bounds = array<i64: 5>, scalar_prefetch = 0 : i64, scratch_operands = 0 : i64, tpu.core_type = #tpu.core_type<tc>, window_params = [{transform_indices = @transform_0, window_bounds = array<i64: 2000, 128>}, {pipeline_mode = #tpu.pipeline_mode<synchronous>, transform_indices = @transform_1, window_bounds = array<i64: 128, 128>}, {pipeline_mode = #tpu.pipeline_mode<synchronous>, transform_indices = @transform_2, window_bounds = array<i64: 1, 128>}, {transform_indices = @transform_3, window_bounds = array<i64: 2000, 128>}]} {
    %get3A = arith.constant 0 : index
    %get3A_0 = arith.constant 0 : index
    %get3A_1 = vector.load %arg1[%get3A, %get3A_0] : memref<2000x128xf32, #tpu.memory_space<vmem>>, vector<2000x128xf32>
    %get3A_2 = arith.constant 0 : index
    %get3A_3 = arith.constant 0 : index
    %get3A_4 = vector.load %arg2[%get3A_2, %get3A_3] : memref<128x128xf32, #tpu.memory_space<vmem>>, vector<128x128xf32>
    %dot_general3A = arith.constant dense<0.000000e+00> : vector<2000x128xf32>
    %dot_general3A_5 = tpu.matmul %get3A_1, %get3A_4, %dot_general3A {dimension_numbers = #tpu.dot_dimension_numbers<[1], [0], [0], [1], [0, 0, 1, 1], [], []>, transpose_lhs_hint = false} : vector<2000x128xf32>, vector<128x128xf32>, vector<2000x128xf32> -> vector<2000x128xf32>
    %get3A_6 = arith.constant 0 : index
    %get3A_7 = arith.constant 0 : index
    %get3A_8 = vector.load %arg3[%get3A_6, %get3A_7] : memref<1x128xf32, #tpu.memory_space<vmem>>, vector<1x128xf32>
    %add3A = vector.broadcast %get3A_8 : vector<1x128xf32> to vector<2000x128xf32>
    %add3A_9 = arith.addf %dot_general3A_5, %add3A : vector<2000x128xf32>
    %swap3A = arith.constant 0 : index
    %swap3A_10 = arith.constant 0 : index
    %swap3A_11 = vector.load %arg4[%swap3A, %swap3A_10] : memref<2000x128xf32, #tpu.memory_space<vmem>>, vector<2000x128xf32>
    tpu.vector_store %arg4[%swap3A, %swap3A_10], %add3A_9 {strides = array<i32>} : memref<2000x128xf32, #tpu.memory_space<vmem>>, vector<2000x128xf32>,
    return
  }
  func.func @transform_0(%arg0: i32) -> (i32, i32) {
    %c0_i32 = arith.constant 0 : i32
    %c0_i32_0 = arith.constant 0 : i32
    return %arg0, %c0_i32 : i32, i32
  }
  func.func @transform_1(%arg0: i32) -> (i32, i32) {
    %c0_i32 = arith.constant 0 : i32
    %c0_i32_0 = arith.constant 0 : i32
    %c0_i32_1 = arith.constant 0 : i32
    return %c0_i32, %c0_i32_0 : i32, i32
  }
  func.func @transform_2(%arg0: i32) -> (i32, i32) {
    %c0_i32 = arith.constant 0 : i32
    %c0_i32_0 = arith.constant 0 : i32
    %c0_i32_1 = arith.constant 0 : i32
    return %c0_i32, %c0_i32_0 : i32, i32
  }
  func.func @transform_3(%arg0: i32) -> (i32, i32) {
    %c0_i32 = arith.constant 0 : i32
    %c0_i32_0 = arith.constant 0 : i32
    return %arg0, %c0_i32 : i32, i32
  }
}

module attributes {stable_mosaic.version = 14 : i64} {
  func.func @_tc_nei_body(%arg0: i32, %arg1: memref<2000x128xf32, #tpu.memory_space<vmem>>, %arg2: memref<2x2000x128xf32, #tpu.memory_space<vmem>>, %arg3: memref<128x128xf32, #tpu.memory_space<vmem>>, %arg4: memref<2000x128xf32, #tpu.memory_space<vmem>>) attributes {dimension_semantics = [#tpu.dimension_semantics<arbitrary>], iteration_bounds = array<i64: 5>, scalar_prefetch = 0 : i64, scratch_operands = 0 : i64, tpu.core_type = #tpu.core_type<tc>, window_params = [{transform_indices = @transform_0, window_bounds = array<i64: 2000, 128>}, {transform_indices = @transform_1, window_bounds = array<i64: 2, 2000, 128>}, {pipeline_mode = #tpu.pipeline_mode<synchronous>, transform_indices = @transform_2, window_bounds = array<i64: 128, 128>}, {transform_indices = @transform_3, window_bounds = array<i64: 2000, 128>}]} {
    %get3A = arith.constant 0 : index
    %get3A_0 = arith.constant 0 : index
    %get3A_1 = arith.constant 0 : index
    %get3A_2 = vector.load %arg2[%get3A, %get3A_0, %get3A_1] : memref<2x2000x128xf32, #tpu.memory_space<vmem>>, vector<1x2000x128xf32>
    %get3A_3 = vector.shape_cast %get3A_2 : vector<1x2000x128xf32> to vector<2000x128xf32>
    %get3A_4 = arith.constant 1 : index
    %get3A_5 = arith.constant 0 : index
    %get3A_6 = arith.constant 0 : index
    %get3A_7 = vector.load %arg2[%get3A_4, %get3A_5, %get3A_6] : memref<2x2000x128xf32, #tpu.memory_space<vmem>>, vector<1x2000x128xf32>
    %get3A_8 = vector.shape_cast %get3A_7 : vector<1x2000x128xf32> to vector<2000x128xf32>
    %add3A = arith.addf %get3A_3, %get3A_8 : vector<2000x128xf32>
    %get3A_9 = arith.constant 0 : index
    %get3A_10 = arith.constant 0 : index
    %get3A_11 = vector.load %arg1[%get3A_9, %get3A_10] : memref<2000x128xf32, #tpu.memory_space<vmem>>, vector<2000x128xf32>
    %get3A_12 = arith.constant 0 : index
    %get3A_13 = arith.constant 0 : index
    %get3A_14 = vector.load %arg3[%get3A_12, %get3A_13] : memref<128x128xf32, #tpu.memory_space<vmem>>, vector<128x128xf32>
    %dot_general3A = arith.constant dense<0.000000e+00> : vector<2000x128xf32>
    %dot_general3A_15 = tpu.matmul %add3A, %get3A_14, %dot_general3A {dimension_numbers = #tpu.dot_dimension_numbers<[1], [0], [0], [1], [0, 0, 1, 1], [], []>, transpose_lhs_hint = false} : vector<2000x128xf32>, vector<128x128xf32>, vector<2000x128xf32> -> vector<2000x128xf32>
    %add3A_16 = arith.addf %get3A_11, %dot_general3A_15 : vector<2000x128xf32>
    %swap3A = arith.constant 0 : index
    %swap3A_17 = arith.constant 0 : index
    %swap3A_18 = vector.load %arg4[%swap3A, %swap3A_17] : memref<2000x128xf32, #tpu.memory_space<vmem>>, vector<2000x128xf32>
    tpu.vector_store %arg4[%swap3A, %swap3A_17], %add3A_16 {strides = array<i32>} : memref<2000x128xf32, #tpu.memory_space<vmem>>, vector<2000x128xf32>,
    return
  }
  func.func @transform_0(%arg0: i32) -> (i32, i32) {
    %c0_i32 = arith.constant 0 : i32
    %c0_i32_0 = arith.constant 0 : i32
    return %arg0, %c0_i32 : i32, i32
  }
  func.func @transform_1(%arg0: i32) -> (i32, i32, i32) {
    %c0_i32 = arith.constant 0 : i32
    %c0_i32_0 = arith.constant 0 : i32
    %c0_i32_1 = arith.constant 0 : i32
    return %c0_i32, %arg0, %c0_i32_0 : i32, i32, i32
  }
  func.func @transform_2(%arg0: i32) -> (i32, i32) {
    %c0_i32 = arith.constant 0 : i32
    %c0_i32_0 = arith.constant 0 : i32
    %c0_i32_1 = arith.constant 0 : i32
    return %c0_i32, %c0_i32_0 : i32, i32
  }
  func.func @transform_3(%arg0: i32) -> (i32, i32) {
    %c0_i32 = arith.constant 0 : i32
    %c0_i32_0 = arith.constant 0 : i32
    return %arg0, %c0_i32 : i32, i32
  }
}

</mosaic_0001>

<sc_bundles>
// kernel: kernel.5.cloned.1.call-start
scs
__scs_entry_jumppad:
0x0: {  	(pc) =	sbr.rel $0x88, $3  }
0x1: {  	(tag) =	ssettag $0x0;
	lr =	simm.s32 $0x1  }
0x2: {  	[smem:$0x3F9B] =	sst lr;
	_ =	strace $0xD0000000  }
0x3: {  	_ = 	snop  }
0x4: {  	_ = 	snop  }
0x5: {  	_ = 	snop  }
0x6: {  	_ = 	snop  }
0x7: {  	_ = 	snop  }
__scs_overlays_trampoline_lowered:
0x8: {  	[smem:$0x3FAA] =	sst s0  }
0x9: {  	[smem:$0x3FAB] =	sst s1  }
0xa: {  	[smem:$0x3FAC] =	sst s2  }
0xb: {  	[smem:$0x3FAD] =	sst s3  }
0xc: {  	[smem:$0x3FAE] =	sst s4  }
0xd: {  	[smem:$0x3FAF] =	sst s5  }
0xe: {  	[smem:$0x3FB0] =	sst s6  }
0xf: {  	[smem:$0x3FB1] =	sst s7  }
0x10: {  	[smem:$0x3FB2] =	sst s8  }
0x11: {  	[smem:$0x3FB3] =	sst s9;
	s0 =	simm.s32 @!p0 $0x0  }
0x12: {  	s1 =	sld [smem:$0x3F99];
	s0 =	simm.s32 @p0 $0x1  }
0x13: {  	[smem:$0x3FB4] =	sst s0;
	s0 =	simm.s32 @!p1 $0x0  }
0x14: {  	s2 =	sld [smem:$0x3F98];
	s0 =	simm.s32 @p1 $0x1  }
0x15: {  	[smem:$0x3FB5] =	sst s0;
	s0 =	simm.s32 @!p2 $0x0  }
0x16: {  	s3 =	sld [smem:$0x3FDB];
	s0 =	simm.s32 @p2 $0x1  }
0x17: {  	s4 =	simm.s32 $0x1BF5;
	[smem:$0x3FB7] =	sst s0  }
0x18: {  	s0 =	sld [smem:$0x3F9A];
	_ =	swait.ge [sflag:s4], $0x0  }
0x19: {  	s7 =	sld [smem:$0x3F9B]  }
0x1a: {  	s8 =	sadd.s32 $0xFFFFE003, lr  }
0x1b: {  	s9 =	sadd.s32 $0xFFFFFEF7, lr;
	s5 =	simm.s32 $0xFFFFFFFF;
	p2 =	slt.u32 s8, $0xFFFFF086  }
0x1c: {  	p1 =	slt.u32 s9, $0xF7A;
	s5 =	simm.s32 @!p2 $0x0  }
0x1d: {  	s5 =	simm.s32 @p1 $0x1;
	p0 =	seq.s32 s7, s2  }
0x1e: {  	s7 =	smul.u32 @!p0 $0xF7A, s2;
	p2 =	seq.s32 @!p0 s5, $0x0  }
0x1f: {  	s9 =	smul.u32 $0xF7A, s1;
	s8 =	simm.s32 @!p0 $0x1BF5;
	p2 =	por !p2, p0  }
0x20: {  	[sflag:s8] =	ssyncset.s32 @!p0 $0xFFFFF086;
	s6 =	sadd.s32 @!p0 s3, s7;
	s7 =	simm.s32 @!p0 $0x108  }
0x21: {  	s3 =	sadd.s32 s3, s9;
	s6 =	sadd.s32 @!p0 $0x88, s6;
	s7 =	simm.s32 @p2 $0x1082  }
0x22: {  	[simem:s7], [sflag:s8] =	dma.local @!p0 [hbm:s6], $0xF7A  }
0x23: {  	s9 =	sor.u32 $0xD0000000, s2;
	s6 =	simm.s32 $0x108;
	_ =	swait.ge @!p0 [sflag:s8], $0x0  }
0x24: {  	s3 =	sadd.s32 $0x88, s3;
	s6 =	simm.s32 @!p1 $0x1082;
	[sflag:s4] =	ssyncset.s32 $0xFFFFF086  }
0x25: {  	[simem:s6], [sflag:s4] =	dma.local [hbm:s3], $0xF7A  }
0x26: {  	[smem:$0x3F9B] =	sst s1;
	(tag) =	ssettag s2;
	_ =	strace s9  }
0x27: {  	s1 =	sld [smem:$0x3FAB]  }
0x28: {  	s2 =	sld [smem:$0x3FAC]  }
0x29: {  	s4 =	sld [smem:$0x3FAE]  }
0x2a: {  	p0 =	seq.s32 s5, $0x0;
	s5 =	sld [smem:$0x3FAF]  }
0x2b: {  	s6 =	sld [smem:$0x3FB0]  }
0x2c: {  	s7 =	sld [smem:$0x3FB1]  }
0x2d: {  	s3 =	simm.s32 $0x108;
	s8 =	sld [smem:$0x3FB2]  }
0x2e: {  	s3 =	simm.s32 @!p0 $0x1082;
	s9 =	sld [smem:$0x3FB3]  }
0x2f: {  	lr =	sadd.s32 s0, s3;
	s0 =	sld [smem:$0x3FAA]  }
0x30: {  	s3 =	sld [smem:$0x3FAD]  }
0x31: {  	[smem:$0x3FB6] =	sst s10  }
0x32: {  	s10 =	sld [smem:$0x3FB4];
	_ =	sdelay $0x3  }
0x33: {  	p0 =	seq.s32 s10, $0x1;
	s10 =	sld [smem:$0x3FB6];
	_ =	sdelay $0x3  }
0x34: {  	[smem:$0x3FB6] =	sst s10  }
0x35: {  	s10 =	sld [smem:$0x3FB5];
	_ =	sdelay $0x3  }
0x36: {  	p1 =	seq.s32 s10, $0x1;
	s10 =	sld [smem:$0x3FB6];
	_ =	sdelay $0x3  }
0x37: {  	[smem:$0x3FB6] =	sst s10  }
0x38: {  	s10 =	sld [smem:$0x3FB7]  }
0x39: {  	_ = 	snop;
	(pc) =	sbr.ind lr, $3  }
0x3a: {  	_ = 	snop  }
0x3b: {  	_ = 	snop  }
0x3c: {  	p2 =	seq.s32 s10, $0x1;
	s10 =	sld [smem:$0x3FB6]  }
0x3d: {  	_ =	shalt  }
0x3e: {  	_ =	shalt  }
0x3f: {  	_ =	shalt  }
0x40: {  	_ =	shalt  }
0x41: {  	_ =	shalt  }
0x42: {  	_ =	shalt  }
0x43: {  	_ =	shalt  }
0x44: {  	_ =	shalt  }
0x45: {  	_ =	shalt  }
0x46: {  	_ =	shalt  }
0x47: {  	_ =	shalt  }
0x48: {  	_ =	shalt  }
0x49: {  	_ =	shalt  }
0x4a: {  	_ =	shalt  }
0x4b: {  	_ =	shalt  }
0x4c: {  	_ =	shalt  }
0x4d: {  	_ =	shalt  }
0x4e: {  	_ =	shalt  }
0x4f: {  	_ =	shalt  }
0x50: {  	_ =	shalt  }
0x51: {  	_ =	shalt  }
0x52: {  	_ =	shalt  }
0x53: {  	_ =	shalt  }
0x54: {  	_ =	shalt  }
0x55: {  	_ =	shalt  }
0x56: {  	_ =	shalt  }
0x57: {  	_ =	shalt  }
0x58: {  	_ =	shalt  }
0x59: {  	_ =	shalt  }
0x5a: {  	_ =	shalt  }
0x5b: {  	_ =	shalt  }
0x5c: {  	_ =	shalt  }
0x5d: {  	_ =	shalt  }
0x5e: {  	_ =	shalt  }
0x5f: {  	_ =	shalt  }
0x60: {  	_ =	shalt  }
0x61: {  	_ =	shalt  }
0x62: {  	_ =	shalt  }
0x63: {  	_ =	shalt  }
0x64: {  	_ =	shalt  }
0x65: {  	_ =	shalt  }
0x66: {  	_ =	shalt  }
0x67: {  	_ =	shalt  }
0x68: {  	_ =	shalt  }
0x69: {  	_ =	shalt  }
0x6a: {  	_ =	shalt  }
0x6b: {  	_ =	shalt  }
0x6c: {  	_ =	shalt  }
0x6d: {  	_ =	shalt  }
0x6e: {  	_ =	shalt  }
0x6f: {  	_ =	shalt  }
0x70: {  	_ =	shalt  }
0x71: {  	_ =	shalt  }
0x72: {  	_ =	shalt  }
0x73: {  	_ =	shalt  }
0x74: {  	_ =	shalt  }
0x75: {  	_ =	shalt  }
0x76: {  	_ =	shalt  }
0x77: {  	_ =	shalt  }
0x78: {  	_ =	shalt  }
0x79: {  	_ =	shalt  }
0x7a: {  	_ =	shalt  }
0x7b: {  	_ =	shalt  }
0x7c: {  	_ =	shalt  }
0x7d: {  	_ =	shalt  }
0x7e: {  	_ =	shalt  }
0x7f: {  	_ =	shalt  }
0x80: {  	_ =	shalt  }
0x81: {  	_ =	shalt  }
0x82: {  	_ =	shalt  }
0x83: {  	_ =	shalt  }
0x84: {  	_ =	shalt  }
0x85: {  	_ =	shalt  }
0x86: {  	_ =	shalt  }
0x87: {  	_ =	shalt  }
.Lfunc_end0:
.L_simem_size_0:
called_computation_lowered:
.L_overlay_start_0:
0x88: {  	s2 =	sld [smem:$0x3FD9]  }
0x89: {  	s3 =	sld [smem:$0x3FFE];
	_ =	sdelay $0x1  }
0x8a: {  	s1 =	srdreg.scid  }
0x8b: {  	s0 =	sand.u32 $0x1, s1  }
0x8c: {  	s17 =	sshll.u32 s0, $0xA;
	s2 =	sadd.s32 s3, s2  }
0x8d: {  	s2 =	sadd.s32 s2, s17  }
0x8e: {  	[smem:$0x3FC2] =	sst s2  }
0x8f: {  	_ = 	snop  }
0x90: {  	s2 =	sld [smem:$0x3FC9];
	(tm) =	ssettm $0x1  }
0x91: {  	s18 =	sld [smem:$0x3FFB];
	_ =	sdelay $0x3  }
0x92: {  	_ =	strace s18  }
0x93: {  	s3 =	sld [smem:$0x3FFC];
	_ =	sdelay $0x3  }
0x94: {  	_ =	strace s3  }
0x95: {  	s3 =	sld [smem:$0x3FFD];
	_ =	sdelay $0x3  }
0x96: {  	_ =	strace s3  }
0x97: {  	_ =	strace $0x8FFFFFFF  }
0x98: {  	s19 =	sld [smem:$0x3FDB];
	_ =	sdelay $0x1  }
0x99: {  	s4 =	simm.s32 $_scs_section_size  }
0x9a: {  	s5 =	simm.s32 $_size__tile_overlayer_lowered;
	s6 =	simm.s32 $_tile_overlayer_lowered  }
0x9b: {  	s22 =	simm.s32 $0x1BFF;
	s21 =	sshll.u32 s6, $0x1;
	s3 =	sadd.s32 s4, s19  }
0x9c: {  	s7 =	simm.s32 $0x0;
	s20 =	sshll.u32 s5, $0x1;
	s5 =	sadd.s32 s21, s3  }
0x9d: {  	[timem:s7], [sflag:s22] =	dma.local [hbm:s5], s20  }
0x9e: {  	_ =	swait.ge [sflag:s22], s20  }
0x9f: {  	s4 =	ssub.s32 $0x0, s20;
	[sflag:s22] =	ssyncset.done $0x0  }
0xa0: {  	[sflag:s22] =	ssyncadd.s32 s4;
	_ =	sdelay $0x1  }
0xa1: {  	s23 =	simm.s32 $0x1B8B  }
0xa2: {  	_ =	swait.ge [sflag:s23], $0x1  }
0xa3: {  	[sflag:s23] =	ssyncset.done $0x0  }
0xa4: {  	s25 =	simm.s32 $0x1B8E;
	s24 =	sld [smem:$0x3FFE];
	[sflag:s23] =	ssyncadd.s32 $0xFFFFFFFF  }
0xa5: {  	s26 =	simm.s32 $execute0_lowered;
	[smem:$0x3FD2] =	sst s25  }
0xa6: {  	s5 =	sshll.u32 s26, $0x1;
	_ =	strace $0x80000046;
	[dreg:$0x1] =	wrdreg $0xFFFFFFFF  }
0xa7: {  	s28 =	simm.s32 $_size_execute0_lowered;
	s3 =	sadd.s32 s3, s5;
	[dreg:$0x0] =	wrdreg $0x0  }
0xa8: {  	s5 =	sshll.u32 s28, $0x1;
	[dreg:$0x2] =	wrdreg s3  }
0xa9: {  	[dreg:$0x3] =	wrdreg s5  }
0xaa: {  	[dreg:$0x4] =	wrdreg $0xC0  }
0xab: {  	_ =	task [dreg:s7], $0x5FFFF  }
0xac: {  	[dreg:$0x1] =	wrdreg $0xFFFFFFFF  }
0xad: {  	[dreg:$0x0] =	wrdreg $0x60  }
0xae: {  	[dreg:$0x2] =	wrdreg s2  }
0xaf: {  	[dreg:$0x3] =	wrdreg s24  }
0xb0: {  	[dreg:$0x4] =	wrdreg $0x0  }
0xb1: {  	[dreg:$0x5] =	wrdreg $0x9  }
0xb2: {  	_ =	task.clear_ibuf [dreg:s7], $0x6FFFF;
	_ =	strace $0x90000046  }
0xb3: {  	s29 =	simm.s32 $0x9;
	_ =	strace $0x80000048  }
0xb4: {  	_ =	swait.ge [sflag:s29], $0x1  }
0xb5: {  	[sflag:s29] =	ssyncadd.s32 $0xFFFFFFFF  }
0xb6: {  	_ =	strace $0x90000048  }
0xb7: {  	_ =	sfence  }
0xb8: {  	s30 =	sld [smem:$0x0];
	_ =	sdelay $0x2  }
0xb9: {  	s31 =	sshll.u32 s1, $0xD;
	s1 =	sshrl.u32 s1, $0x2  }
0xba: {  	s3 =	sand.u32 $0x4000, s31;
	s1 =	sadd.s32 s1, s30  }
0xbb: {  	s0 =	sor.u32 s3, s0;
	s1 =	sshll.u32 s1, $0x11  }
0xbc: {  	s0 =	sor.u32 s1, s0  }
0xbd: {  	s0 =	sadd.s32 $0x8F2B, s0  }
0xbe: {  	[sflag:s0] =	ssyncadd.remote.s32 $0x1  }
0xbf: {  	_ =	sfence.sel $0xFFFF  }
0xc0: {  	[dreg:$0x0] =	wrdreg $0xFFFFFFFF;
	(pc) =	sbr.abs _section_cstart, $3  }
0xc1: {  	[dreg:$0x1] =	wrdreg $0xFFFFFFFF  }
0xc2: {  	_ =	task.clear_ibuf [dreg:s7], $0x2FFFF;
	_ =	strace $0x9FFFFFFF  }
0xc3: {  	(tm) =	ssettm $0x7FFFFFFF  }
tec
execute0_lowered:
.L_overlay_start_1:
0x0: {  	(tag) =	ssettag $0x1  }
0x1: {  	s1 =	rddreg [dreg:$0x0]  }
0x2: {  	s0 =	rddreg [dreg:$0x1]  }
0x3: {  	s3 =	rddreg [dreg:$0x2]  }
0x4: {  	s4 =	simm.s32 $0x0;
	s11 =	stileid.u32;
	s2 =	srdreg.scid  }
0x5: {  	s23 =	simm.s32 $0x13C80;
	s24 =	simm.s32 $0x13E00;
	s25 =	simm.s32 $0x13D80  }
0x6: {  	s26 =	simm.s32 $0x13F00;
	s13 =	simm.s32 $0x14100;
	s14 =	simm.s32 $0x14080  }
0x7: {  	s15 =	simm.s32 $0x14180;
	s16 =	simm.s32 $0x14300;
	[smem:$0x7FF] =	sst s4  }
0x8: {  	s28 =	simm.s32 $0x7;
	_ =	strace $0x80000047;
	[dreg:$0x4] =	wrdreg s23  }
0x9: {  	s29 =	simm.s32 $0x8;
	s30 =	simm.s32 $0x5;
	[dreg:$0x5] =	wrdreg s24  }
0xa: {  	s31 =	simm.s32 $0x0;
	s17 =	smul.u32 $0x13C00, s11;
	[dreg:$0x6] =	wrdreg s25  }
0xb: {  	s2 =	sand.u32 $0x1, s2;
	s7 =	sadd.s32 $0x1200, s0;
	[dreg:$0x7] =	wrdreg s26  }
0xc: {  	s10 =	smul.u32 $0x4F000, s11;
	s22 =	sshll.u32 s11, $0x6;
	[dreg:$0xb] =	wrdreg s13  }
0xd: {  	s5 =	smul.u32 $0x13C000, s2;
	s6 =	sshll.u32 s2, $0x4;
	[dreg:$0xc] =	wrdreg s14  }
0xe: {  	s18 =	ssub.s32 $0x2, s2;
	s2 =	smul.u32 $0xA80, s2;
	[dreg:$0xd] =	wrdreg s15  }
0xf: {  	s13 =	simm.s32 $0x13C00;
	s14 =	simm.s32 $0x14200;
	[dreg:$0xe] =	wrdreg s16  }
0x10: {  	s16 =	simm.s32 $0x9;
	s23 =	simm.s32 $0x14600;
	s24 =	simm.s32 $0x14580  }
0x11: {  	s25 =	simm.s32 $0x14700;
	s26 =	simm.s32 $0x14680;
	s8 =	sshrl.u32 s17, $0x3  }
0x12: {  	s6 =	sor.u32 s11, s6;
	s9 =	sshrl.u32 s18, $0x1;
	[dreg:$0x14] =	wrdreg s23  }
0x13: {  	s20 =	sshrl.u32 s10, $0x2;
	s11 =	smul.u32 $0xA8, s11;
	[dreg:$0x15] =	wrdreg s24  }
0x14: {  	[dreg:$0x16] =	wrdreg s25;
	s23 =	simm.s32 $0x1C000;
	s24 =	simm.s32 $0x2  }
0x15: {  	[dreg:$0x17] =	wrdreg s26;
	s25 =	simm.s32 $0x6;
	s26 =	simm.s32 $0x3  }
0x16: {  	s4 =	sadd.s32 s17, s5;
	s6 =	smul.u32 $0x1500, s6;
	s8 =	sadd.s32 s8, s0  }
0x17: {  	s5 =	ssub.s32 s18, s9;
	s21 =	sadd.s32 s20, s3;
	s9 =	simm.s32 $0x14000  }
0x18: {  	s17 =	simm.s32 $0x14280;
	s18 =	simm.s32 $0x14400;
	s4 =	sshrl.u32 s4, $0x3  }
0x19: {  	s8 =	sadd.s32 $0x2B200, s8;
	s10 =	smax.u32 s5, $0x1;
	[dreg:$0x9] =	wrdreg s9  }
0x1a: {  	s5 =	simm.s32 $0x13E80;
	s2 =	sadd.s32 s11, s2;
	[dreg:$0xf] =	wrdreg s17  }
0x1b: {  	s11 =	simm.s32 $0x13F80;
	s15 =	sshrl.u32 s21, $0x3;
	[dreg:$0x10] =	wrdreg s18  }
0x1c: {  	s17 =	simm.s32 $0x4;
	s21 =	simm.s32 $0x14500;
	[dreg:$0x1a] =	wrdreg s8  }
0x1d: {  	s18 =	simm.s32 $0x78;
	s4 =	sadd.s32 s4, s0;
	[dreg:$0x8] =	wrdreg s5  }
0x1e: {  	s19 =	sadd.s32 s7, s6;
	s0 =	sadd.s32 $0x12C0, s0;
	[dreg:$0xa] =	wrdreg s11  }
0x1f: {  	s8 =	sor.u32 $0x1C09, s22;
	s2 =	sshll.u32 s2, $0x5;
	[dreg:$0x12] =	wrdreg s21  }
0x20: {  	s22 =	simm.s32 $0x14480;
	s21 =	simm.s32 $0x18400;
	[dreg:$0x18] =	wrdreg s19  }
0x21: {  	s6 =	sadd.s32 s6, s0;
	s4 =	sadd.s32 $0x52A00, s4;
	[dreg:$0x13] =	wrdreg s22  }
0x22: {  	s12 =	sadd.s32 s7, s2;
	s19 =	simm.s32 $0x14380;
	[dreg:$0x19] =	wrdreg s6  }
0x23: {  	s22 =	simm.s32 $0x1;
	[dreg:$0x1b] =	wrdreg s4;
	s20 =	sadd.s32 $0x180, s12  }
0x24: {  	s12 =	sadd.s32 s2, s0;
	[dreg:$0x11] =	wrdreg s19;
	s19 =	simm.s32 $0x14800  }
.LBB2_1:
0x25: {  	s2 =	rddreg [dreg:$0x18]  }
0x26: {  	s0 =	simm.s32 $0x0;
	s9 =	rddreg [dreg:$0x19]  }
0x27: {  	[tilespmem:s13], [sflag:$0x4] =	stream.linear.gather [hbm4b:s2+s0], $0x600, $0x38;
	[tilespmem:$0x1FC00] =	vst v63  }
0x28: {  	s11 =	rddreg [dreg:$0x1a]  }
0x29: {  	[tilespmem:s14], [sflag:$0x5] =	stream.linear.gather [hbm4b:s9+s0], $0x600, $0x38;
	[tilespmem:$0x1FC00] =	vst v63  }
0x2a: {  	[spmem:s15], [sflag:s8] =	dma.local [hbm:s11], $0x2780  }
0x2b: {  	_ =	swait.ge [sflag:s16], $0x2780  }
0x2c: {  	[sflag:s16] =	ssyncset.done $0x0  }
0x2d: {  	[sflag:s16] =	ssyncadd.s32 $0xFFFFD880  }
0x2e: {  	[bflag:$0x0] =	sbarrier.arrive $0xFFFF  }
0x2f: {  	_ =	swait.ge [sflag:s17], $0x600  }
0x30: {  	[sflag:s17] =	ssyncset.done $0x0  }
0x31: {  	[sflag:s17] =	ssyncadd.s32 $0xFFFFFA00  }
0x32: {  	[tilespmem:s19], [sflag:$0x1] =	stream.indirect.gather [hbm4b:s1+s18], $0x80, s13, s18, $0xb8;
	[tilespmem:$0x1FC00] =	vst v63  }
0x33: {  	s2 =	simm.s32 $0x13D00  }
0x34: {  	[tilespmem:s21], [sflag:$0x2] =	stream.indirect.gather [hbm4b:s1+s18], $0x80, s2, s18, $0xb8;
	[tilespmem:$0x1FC00] =	vst v63  }
0x35: {  	_ =	swait.ge [sflag:s22], $0x3C00  }
0x36: {  	p0 =	por $0x1, $0x1;
	[sflag:s22] =	ssyncset.done $0x0  }
0x37: {  	s2 =	simm.s32 @!p0 $0x8;
	s4 =	rddreg [dreg:$0x4];
	[sflag:s22] =	ssyncadd.s32 $0xFFFFC400  }
0x38: {  	[spmem:s3] =	stream.indirect.scatter.add.f32 [tilespmem:s19], [sflag:$0x6], $0x80, s4, s18, $0xb8;
	[tilespmem:$0x1FC00] =	vst v63  }
0x39: {  	_ =	swait.ge @!p0 [sflag:s2], $0x3C00  }
0x3a: {  	[sflag:s2] =	ssyncset.done @!p0 $0x0  }
0x3b: {  	s0 =	simm.s32 @!p0 $0x14200;
	s4 =	simm.s32 @!p0 $0x0;
	[sflag:s2] =	ssyncadd.s32 @!p0 $0xFFFFC400  }
0x3c: {  	[tilespmem:s0], [sflag:$0x5] =	stream.linear.gather @!p0 [hbm4b:s12+s4], $0x600, $0x38;
	[tilespmem:$0x1FC00] =	vst v63  }
0x3d: {  	s5 =	rddreg [dreg:$0x5]  }
0x3e: {  	[tilespmem:s23], [sflag:$0x3] =	stream.indirect.gather [hbm4b:s1+s18], $0x80, s5, s18, $0xb8;
	[tilespmem:$0x1FC00] =	vst v63  }
0x3f: {  	_ =	swait.ge [sflag:s24], $0x3C00  }
0x40: {  	[sflag:s24] =	ssyncset.done $0x0  }
0x41: {  	s5 =	rddreg [dreg:$0x6];
	[sflag:s24] =	ssyncadd.s32 $0xFFFFC400  }
0x42: {  	[spmem:s3] =	stream.indirect.scatter.add.f32 [tilespmem:s21], [sflag:$0x7], $0x80, s5, s18, $0xb8;
	[tilespmem:$0x1FC00] =	vst v63  }
0x43: {  	_ =	swait.ge [sflag:s25], $0x3C00  }
0x44: {  	[sflag:s25] =	ssyncset.done $0x0  }
0x45: {  	s6 =	rddreg [dreg:$0x7];
	[sflag:s25] =	ssyncadd.s32 $0xFFFFC400  }
0x46: {  	[tilespmem:s19], [sflag:$0x1] =	stream.indirect.gather [hbm4b:s1+s18], $0x80, s6, s18, $0xb8;
	[tilespmem:$0x1FC00] =	vst v63  }
0x47: {  	_ =	swait.ge [sflag:s26], $0x3C00  }
0x48: {  	[sflag:s26] =	ssyncset.done $0x0  }
0x49: {  	s7 =	rddreg [dreg:$0x8];
	[sflag:s26] =	ssyncadd.s32 $0xFFFFC400  }
0x4a: {  	[spmem:s3] =	stream.indirect.scatter.add.f32 [tilespmem:s23], [sflag:$0x8], $0x80, s7, s18, $0xb8;
	[tilespmem:$0x1FC00] =	vst v63  }
0x4b: {  	_ =	swait.ge [sflag:s28], $0x3C00  }
0x4c: {  	[sflag:s28] =	ssyncset.done $0x0  }
0x4d: {  	s9 =	rddreg [dreg:$0x9];
	[sflag:s28] =	ssyncadd.s32 $0xFFFFC400  }
0x4e: {  	[tilespmem:s21], [sflag:$0x2] =	stream.indirect.gather [hbm4b:s1+s18], $0x80, s9, s18, $0xb8;
	[tilespmem:$0x1FC00] =	vst v63  }
0x4f: {  	_ =	swait.ge [sflag:s22], $0x3C00  }
0x50: {  	[sflag:s22] =	ssyncset.done $0x0  }
0x51: {  	s11 =	rddreg [dreg:$0xa];
	[sflag:s22] =	ssyncadd.s32 $0xFFFFC400  }
0x52: {  	[spmem:s3] =	stream.indirect.scatter.add.f32 [tilespmem:s19], [sflag:$0x6], $0x80, s11, s18, $0xb8;
	[tilespmem:$0x1FC00] =	vst v63  }
0x53: {  	_ =	swait.ge [sflag:s29], $0x3C00  }
0x54: {  	[sflag:s29] =	ssyncset.done $0x0  }
0x55: {  	s2 =	rddreg [dreg:$0xb];
	[sflag:s29] =	ssyncadd.s32 $0xFFFFC400  }
0x56: {  	[tilespmem:s23], [sflag:$0x3] =	stream.indirect.gather [hbm4b:s1+s18], $0x80, s2, s18, $0xb8;
	[tilespmem:$0x1FC00] =	vst v63  }
0x57: {  	_ =	swait.ge [sflag:s24], $0x3C00  }
0x58: {  	[sflag:s24] =	ssyncset.done $0x0  }
0x59: {  	s4 =	rddreg [dreg:$0xc];
	[sflag:s24] =	ssyncadd.s32 $0xFFFFC400  }
0x5a: {  	[spmem:s3] =	stream.indirect.scatter.add.f32 [tilespmem:s21], [sflag:$0x7], $0x80, s4, s18, $0xb8;
	[tilespmem:$0x1FC00] =	vst v63  }
0x5b: {  	_ =	swait.ge [sflag:s25], $0x3C00  }
0x5c: {  	[sflag:s25] =	ssyncset.done $0x0  }
0x5d: {  	[sflag:s25] =	ssyncadd.s32 $0xFFFFC400  }
0x5e: {  	_ =	swait.ge [sflag:s30], $0x600  }
0x5f: {  	[sflag:s30] =	ssyncset.done $0x0  }
0x60: {  	[sflag:s30] =	ssyncadd.s32 $0xFFFFFA00  }
0x61: {  	[tilespmem:s19], [sflag:$0x1] =	stream.indirect.gather [hbm4b:s1+s18], $0x80, s14, s18, $0xb8;
	[tilespmem:$0x1FC00] =	vst v63  }
0x62: {  	_ =	swait.ge [sflag:s26], $0x3C00  }
0x63: {  	[sflag:s26] =	ssyncset.done $0x0  }
0x64: {  	s5 =	rddreg [dreg:$0xd];
	[sflag:s26] =	ssyncadd.s32 $0xFFFFC400  }
0x65: {  	[spmem:s3] =	stream.indirect.scatter.add.f32 [tilespmem:s23], [sflag:$0x8], $0x80, s5, s18, $0xb8;
	[tilespmem:$0x1FC00] =	vst v63  }
0x66: {  	_ =	swait.ge [sflag:s28], $0x3C00  }
0x67: {  	[sflag:s28] =	ssyncset.done $0x0  }
0x68: {  	s6 =	rddreg [dreg:$0xe];
	[sflag:s28] =	ssyncadd.s32 $0xFFFFC400  }
0x69: {  	[tilespmem:s21], [sflag:$0x2] =	stream.indirect.gather [hbm4b:s1+s18], $0x80, s6, s18, $0xb8;
	[tilespmem:$0x1FC00] =	vst v63  }
0x6a: {  	_ =	swait.ge [sflag:s22], $0x3C00  }
0x6b: {  	[sflag:s22] =	ssyncset.done $0x0  }
0x6c: {  	s7 =	rddreg [dreg:$0xf];
	[sflag:s22] =	ssyncadd.s32 $0xFFFFC400  }
0x6d: {  	[spmem:s3] =	stream.indirect.scatter.add.f32 [tilespmem:s19], [sflag:$0x6], $0x80, s7, s18, $0xb8;
	[tilespmem:$0x1FC00] =	vst v63  }
0x6e: {  	_ =	swait.ge [sflag:s29], $0x3C00  }
0x6f: {  	p1 =	por $0x0, $0x0;
	[sflag:s29] =	ssyncset.done $0x0  }
0x70: {  	s0 =	simm.s32 @!p1 $0x13C00;
	s4 =	simm.s32 @!p1 $0x0;
	[sflag:s29] =	ssyncadd.s32 $0xFFFFC400  }
0x71: {  	[tilespmem:s0], [sflag:$0x4] =	stream.linear.gather @!p1 [hbm4b:s20+s4], $0x600, $0x38;
	[tilespmem:$0x1FC00] =	vst v63  }
0x72: {  	s9 =	rddreg [dreg:$0x10]  }
0x73: {  	[tilespmem:s23], [sflag:$0x3] =	stream.indirect.gather [hbm4b:s1+s18], $0x80, s9, s18, $0xb8;
	[tilespmem:$0x1FC00] =	vst v63  }
0x74: {  	_ =	swait.ge [sflag:s24], $0x3C00  }
0x75: {  	[sflag:s24] =	ssyncset.done $0x0  }
0x76: {  	s11 =	rddreg [dreg:$0x11];
	[sflag:s24] =	ssyncadd.s32 $0xFFFFC400  }
0x77: {  	[spmem:s3] =	stream.indirect.scatter.add.f32 [tilespmem:s21], [sflag:$0x7], $0x80, s11, s18, $0xb8;
	[tilespmem:$0x1FC00] =	vst v63  }
0x78: {  	_ =	swait.ge [sflag:s25], $0x3C00  }
0x79: {  	[sflag:s25] =	ssyncset.done $0x0  }
0x7a: {  	s4 =	rddreg [dreg:$0x12];
	[sflag:s25] =	ssyncadd.s32 $0xFFFFC400  }
0x7b: {  	[tilespmem:s19], [sflag:$0x1] =	stream.indirect.gather [hbm4b:s1+s18], $0x80, s4, s18, $0xb8;
	[tilespmem:$0x1FC00] =	vst v63  }
0x7c: {  	_ =	swait.ge [sflag:s26], $0x3C00  }
0x7d: {  	[sflag:s26] =	ssyncset.done $0x0  }
0x7e: {  	s5 =	rddreg [dreg:$0x13];
	[sflag:s26] =	ssyncadd.s32 $0xFFFFC400  }
0x7f: {  	[spmem:s3] =	stream.indirect.scatter.add.f32 [tilespmem:s23], [sflag:$0x8], $0x80, s5, s18, $0xb8;
	[tilespmem:$0x1FC00] =	vst v63  }
0x80: {  	_ =	swait.ge [sflag:s28], $0x3C00  }
0x81: {  	[sflag:s28] =	ssyncset.done $0x0  }
0x82: {  	s6 =	rddreg [dreg:$0x14];
	[sflag:s28] =	ssyncadd.s32 $0xFFFFC400  }
0x83: {  	[tilespmem:s21], [sflag:$0x2] =	stream.indirect.gather [hbm4b:s1+s18], $0x80, s6, s18, $0xb8;
	[tilespmem:$0x1FC00] =	vst v63  }
0x84: {  	_ =	swait.ge [sflag:s22], $0x3C00  }
0x85: {  	[sflag:s22] =	ssyncset.done $0x0  }
0x86: {  	s7 =	rddreg [dreg:$0x15];
	[sflag:s22] =	ssyncadd.s32 $0xFFFFC400  }
0x87: {  	[spmem:s3] =	stream.indirect.scatter.add.f32 [tilespmem:s19], [sflag:$0x6], $0x80, s7, s18, $0xb8;
	[tilespmem:$0x1FC00] =	vst v63  }
0x88: {  	_ =	swait.ge [sflag:s29], $0x3C00  }
0x89: {  	[sflag:s29] =	ssyncset.done $0x0  }
0x8a: {  	s9 =	rddreg [dreg:$0x16];
	[sflag:s29] =	ssyncadd.s32 $0xFFFFC400  }
0x8b: {  	[tilespmem:s23], [sflag:$0x3] =	stream.indirect.gather [hbm4b:s1+s18], $0x80, s9, s18, $0xb8;
	[tilespmem:$0x1FC00] =	vst v63  }
0x8c: {  	_ =	swait.ge [sflag:s24], $0x3C00  }
0x8d: {  	[sflag:s24] =	ssyncset.done $0x0  }
0x8e: {  	s11 =	rddreg [dreg:$0x17];
	[sflag:s24] =	ssyncadd.s32 $0xFFFFC400  }
0x8f: {  	[spmem:s3] =	stream.indirect.scatter.add.f32 [tilespmem:s21], [sflag:$0x7], $0x80, s11, s18, $0xb8;
	[tilespmem:$0x1FC00] =	vst v63  }
0x90: {  	_ =	swait.ge [sflag:s25], $0x3C00  }
0x91: {  	[sflag:s25] =	ssyncset.done $0x0  }
0x92: {  	s2 =	simm.s32 @p1 $0x3;
	[sflag:s25] =	ssyncadd.s32 $0xFFFFC400  }
0x93: {  	_ =	swait.ge @p1 [sflag:s2], $0x3C00  }
0x94: {  	s4 =	simm.s32 @p1 $0x1C000;
	s5 =	simm.s32 @p1 $0x78;
	[sflag:s2] =	ssyncset.done @p1 $0x0  }
0x95: {  	s6 =	simm.s32 @p1 $0x14780;
	[sflag:s2] =	ssyncadd.s32 @p1 $0xFFFFC400;
	s2 =	simm.s32 @p1 $0x7  }
0x96: {  	[spmem:s3] =	stream.indirect.scatter.add.f32 @p1 [tilespmem:s4], [sflag:$0x8], $0x80, s6, s5, $0xb8;
	[tilespmem:$0x1FC00] =	vst v63  }
0x97: {  	_ =	swait.ge @p1 [sflag:s2], $0x3C00  }
0x98: {  	[sflag:s2] =	ssyncset.done @p1 $0x0  }
0x99: {  	s4 =	simm.s32 @!p1 $0x4;
	[sflag:s2] =	ssyncadd.s32 @p1 $0xFFFFC400  }
0x9a: {  	_ =	swait.ge @!p1 [sflag:s4], $0x600  }
0x9b: {  	s5 =	simm.s32 @!p1 $0x78;
	[sflag:s4] =	ssyncset.done @!p1 $0x0  }
0x9c: {  	s2 =	simm.s32 @!p1 $0x14800;
	[sflag:s4] =	ssyncadd.s32 @!p1 $0xFFFFFA00;
	s4 =	simm.s32 @!p1 $0x3  }
0x9d: {  	[tilespmem:s2], [sflag:$0x1] =	stream.indirect.gather @!p1 [hbm4b:s1+s5], $0x80, s0, s5, $0xb8;
	[tilespmem:$0x1FC00] =	vst v63  }
0x9e: {  	_ =	swait.ge @!p1 [sflag:s4], $0x3C00  }
0x9f: {  	s7 =	simm.s32 @!p1 $0x18400;
	s0 =	simm.s32 @!p1 $0x1C000;
	[sflag:s4] =	ssyncset.done @!p1 $0x0  }
0xa0: {  	s2 =	simm.s32 @!p1 $0x14780;
	[sflag:s4] =	ssyncadd.s32 @!p1 $0xFFFFC400;
	s4 =	simm.s32 @!p1 $0x7  }
0xa1: {  	[spmem:s3] =	stream.indirect.scatter.add.f32 @!p1 [tilespmem:s0], [sflag:$0x8], $0x80, s2, s5, $0xb8;
	[tilespmem:$0x1FC00] =	vst v63  }
0xa2: {  	s11 =	smov.u32 s20;
	s6 =	simm.s32 @!p1 $0x13D00;
	_ =	swait.ge @!p1 [sflag:s4], $0x3C00  }
0xa3: {  	s0 =	simm.s32 $0x1;
	s2 =	sadd.s32 $0x180, s12;
	[sflag:s4] =	ssyncset.done @!p1 $0x0  }
.LBB2_2:
0xa4: {  	[sflag:s4] =	ssyncadd.s32 @!p1 $0xFFFFC400  }
0xa5: {  	[tilespmem:s7], [sflag:$0x2] =	stream.indirect.gather @!p1 [hbm4b:s1+s5], $0x80, s6, s5, $0xb8;
	[tilespmem:$0x1FC00] =	vst v63  }
0xa6: {  	s4 =	smov.u32 s0;
	_ =	swait.ge [sflag:s22], $0x3C00  }
0xa7: {  	p1 =	seq.s32 s4, $0x0;
	[sflag:s22] =	ssyncset.done $0x0  }
0xa8: {  	s6 =	simm.s32 @!p1 $0x8;
	s9 =	rddreg [dreg:$0x4];
	[sflag:s22] =	ssyncadd.s32 $0xFFFFC400  }
0xa9: {  	[spmem:s3] =	stream.indirect.scatter.add.f32 [tilespmem:s19], [sflag:$0x6], $0x80, s9, s18, $0xb8;
	[tilespmem:$0x1FC00] =	vst v63  }
0xaa: {  	_ =	swait.ge @!p1 [sflag:s6], $0x3C00  }
0xab: {  	[sflag:s6] =	ssyncset.done @!p1 $0x0  }
0xac: {  	s5 =	simm.s32 @!p1 $0x14200;
	s7 =	simm.s32 @!p1 $0x0;
	[sflag:s6] =	ssyncadd.s32 @!p1 $0xFFFFC400  }
0xad: {  	[tilespmem:s5], [sflag:$0x5] =	stream.linear.gather @!p1 [hbm4b:s2+s7], $0x600, $0x38;
	[tilespmem:$0x1FC00] =	vst v63  }
0xae: {  	s9 =	rddreg [dreg:$0x5]  }
0xaf: {  	[tilespmem:s23], [sflag:$0x3] =	stream.indirect.gather [hbm4b:s1+s18], $0x80, s9, s18, $0xb8;
	[tilespmem:$0x1FC00] =	vst v63  }
0xb0: {  	_ =	swait.ge [sflag:s24], $0x3C00  }
0xb1: {  	[sflag:s24] =	ssyncset.done $0x0  }
0xb2: {  	s6 =	rddreg [dreg:$0x6];
	[sflag:s24] =	ssyncadd.s32 $0xFFFFC400  }
0xb3: {  	[spmem:s3] =	stream.indirect.scatter.add.f32 [tilespmem:s21], [sflag:$0x7], $0x80, s6, s18, $0xb8;
	[tilespmem:$0x1FC00] =	vst v63  }
0xb4: {  	_ =	swait.ge [sflag:s25], $0x3C00  }
0xb5: {  	[sflag:s25] =	ssyncset.done $0x0  }
0xb6: {  	s7 =	rddreg [dreg:$0x7];
	[sflag:s25] =	ssyncadd.s32 $0xFFFFC400  }
0xb7: {  	[tilespmem:s19], [sflag:$0x1] =	stream.indirect.gather [hbm4b:s1+s18], $0x80, s7, s18, $0xb8;
	[tilespmem:$0x1FC00] =	vst v63  }
0xb8: {  	_ =	swait.ge [sflag:s26], $0x3C00  }
0xb9: {  	[sflag:s26] =	ssyncset.done $0x0  }
0xba: {  	s9 =	rddreg [dreg:$0x8];
	[sflag:s26] =	ssyncadd.s32 $0xFFFFC400  }
0xbb: {  	[spmem:s3] =	stream.indirect.scatter.add.f32 [tilespmem:s23], [sflag:$0x8], $0x80, s9, s18, $0xb8;
	[tilespmem:$0x1FC00] =	vst v63  }
0xbc: {  	_ =	swait.ge [sflag:s28], $0x3C00  }
0xbd: {  	[sflag:s28] =	ssyncset.done $0x0  }
0xbe: {  	s6 =	rddreg [dreg:$0x9];
	[sflag:s28] =	ssyncadd.s32 $0xFFFFC400  }
0xbf: {  	[tilespmem:s21], [sflag:$0x2] =	stream.indirect.gather [hbm4b:s1+s18], $0x80, s6, s18, $0xb8;
	[tilespmem:$0x1FC00] =	vst v63  }
0xc0: {  	_ =	swait.ge [sflag:s22], $0x3C00  }
0xc1: {  	[sflag:s22] =	ssyncset.done $0x0  }
0xc2: {  	s7 =	rddreg [dreg:$0xa];
	[sflag:s22] =	ssyncadd.s32 $0xFFFFC400  }
0xc3: {  	[spmem:s3] =	stream.indirect.scatter.add.f32 [tilespmem:s19], [sflag:$0x6], $0x80, s7, s18, $0xb8;
	[tilespmem:$0x1FC00] =	vst v63  }
0xc4: {  	_ =	swait.ge [sflag:s29], $0x3C00  }
0xc5: {  	[sflag:s29] =	ssyncset.done $0x0  }
0xc6: {  	s9 =	rddreg [dreg:$0xb];
	[sflag:s29] =	ssyncadd.s32 $0xFFFFC400  }
0xc7: {  	[tilespmem:s23], [sflag:$0x3] =	stream.indirect.gather [hbm4b:s1+s18], $0x80, s9, s18, $0xb8;
	[tilespmem:$0x1FC00] =	vst v63  }
0xc8: {  	_ =	swait.ge [sflag:s24], $0x3C00  }
0xc9: {  	[sflag:s24] =	ssyncset.done $0x0  }
0xca: {  	s6 =	rddreg [dreg:$0xc];
	[sflag:s24] =	ssyncadd.s32 $0xFFFFC400  }
0xcb: {  	[spmem:s3] =	stream.indirect.scatter.add.f32 [tilespmem:s21], [sflag:$0x7], $0x80, s6, s18, $0xb8;
	[tilespmem:$0x1FC00] =	vst v63  }
0xcc: {  	_ =	swait.ge [sflag:s25], $0x3C00  }
0xcd: {  	[sflag:s25] =	ssyncset.done $0x0  }
0xce: {  	[sflag:s25] =	ssyncadd.s32 $0xFFFFC400  }
0xcf: {  	_ =	swait.ge [sflag:s30], $0x600  }
0xd0: {  	[sflag:s30] =	ssyncset.done $0x0  }
0xd1: {  	[sflag:s30] =	ssyncadd.s32 $0xFFFFFA00  }
0xd2: {  	[tilespmem:s19], [sflag:$0x1] =	stream.indirect.gather [hbm4b:s1+s18], $0x80, s14, s18, $0xb8;
	[tilespmem:$0x1FC00] =	vst v63  }
0xd3: {  	_ =	swait.ge [sflag:s26], $0x3C00  }
0xd4: {  	[sflag:s26] =	ssyncset.done $0x0  }
0xd5: {  	s7 =	rddreg [dreg:$0xd];
	[sflag:s26] =	ssyncadd.s32 $0xFFFFC400  }
0xd6: {  	[spmem:s3] =	stream.indirect.scatter.add.f32 [tilespmem:s23], [sflag:$0x8], $0x80, s7, s18, $0xb8;
	[tilespmem:$0x1FC00] =	vst v63  }
0xd7: {  	_ =	swait.ge [sflag:s28], $0x3C00  }
0xd8: {  	[sflag:s28] =	ssyncset.done $0x0  }
0xd9: {  	s9 =	rddreg [dreg:$0xe];
	[sflag:s28] =	ssyncadd.s32 $0xFFFFC400  }
0xda: {  	[tilespmem:s21], [sflag:$0x2] =	stream.indirect.gather [hbm4b:s1+s18], $0x80, s9, s18, $0xb8;
	[tilespmem:$0x1FC00] =	vst v63  }
0xdb: {  	_ =	swait.ge [sflag:s22], $0x3C00  }
0xdc: {  	[sflag:s22] =	ssyncset.done $0x0  }
0xdd: {  	s6 =	rddreg [dreg:$0xf];
	[sflag:s22] =	ssyncadd.s32 $0xFFFFC400  }
0xde: {  	[spmem:s3] =	stream.indirect.scatter.add.f32 [tilespmem:s19], [sflag:$0x6], $0x80, s6, s18, $0xb8;
	[tilespmem:$0x1FC00] =	vst v63  }
0xdf: {  	_ =	swait.ge [sflag:s29], $0x3C00  }
0xe0: {  	s11 =	sadd.s32 $0x180, s11;
	p1 =	sgt.u32 s4, $0xC;
	[sflag:s29] =	ssyncset.done $0x0  }
0xe1: {  	s4 =	simm.s32 @!p1 $0x13C00;
	s6 =	simm.s32 @!p1 $0x0;
	[sflag:s29] =	ssyncadd.s32 $0xFFFFC400  }
0xe2: {  	[tilespmem:s4], [sflag:$0x4] =	stream.linear.gather @!p1 [hbm4b:s11+s6], $0x600, $0x38;
	[tilespmem:$0x1FC00] =	vst v63  }
0xe3: {  	s7 =	rddreg [dreg:$0x10]  }
0xe4: {  	[tilespmem:s23], [sflag:$0x3] =	stream.indirect.gather [hbm4b:s1+s18], $0x80, s7, s18, $0xb8;
	[tilespmem:$0x1FC00] =	vst v63  }
0xe5: {  	_ =	swait.ge [sflag:s24], $0x3C00  }
0xe6: {  	[sflag:s24] =	ssyncset.done $0x0  }
0xe7: {  	s9 =	rddreg [dreg:$0x11];
	[sflag:s24] =	ssyncadd.s32 $0xFFFFC400  }
0xe8: {  	[spmem:s3] =	stream.indirect.scatter.add.f32 [tilespmem:s21], [sflag:$0x7], $0x80, s9, s18, $0xb8;
	[tilespmem:$0x1FC00] =	vst v63  }
0xe9: {  	_ =	swait.ge [sflag:s25], $0x3C00  }
0xea: {  	[sflag:s25] =	ssyncset.done $0x0  }
0xeb: {  	s6 =	rddreg [dreg:$0x12];
	[sflag:s25] =	ssyncadd.s32 $0xFFFFC400  }
0xec: {  	[tilespmem:s19], [sflag:$0x1] =	stream.indirect.gather [hbm4b:s1+s18], $0x80, s6, s18, $0xb8;
	[tilespmem:$0x1FC00] =	vst v63  }
0xed: {  	_ =	swait.ge [sflag:s26], $0x3C00  }
0xee: {  	[sflag:s26] =	ssyncset.done $0x0  }
0xef: {  	s7 =	rddreg [dreg:$0x13];
	[sflag:s26] =	ssyncadd.s32 $0xFFFFC400  }
0xf0: {  	[spmem:s3] =	stream.indirect.scatter.add.f32 [tilespmem:s23], [sflag:$0x8], $0x80, s7, s18, $0xb8;
	[tilespmem:$0x1FC00] =	vst v63  }
0xf1: {  	_ =	swait.ge [sflag:s28], $0x3C00  }
0xf2: {  	[sflag:s28] =	ssyncset.done $0x0  }
0xf3: {  	s9 =	rddreg [dreg:$0x14];
	[sflag:s28] =	ssyncadd.s32 $0xFFFFC400  }
0xf4: {  	[tilespmem:s21], [sflag:$0x2] =	stream.indirect.gather [hbm4b:s1+s18], $0x80, s9, s18, $0xb8;
	[tilespmem:$0x1FC00] =	vst v63  }
0xf5: {  	_ =	swait.ge [sflag:s22], $0x3C00  }
0xf6: {  	[sflag:s22] =	ssyncset.done $0x0  }
0xf7: {  	s6 =	rddreg [dreg:$0x15];
	[sflag:s22] =	ssyncadd.s32 $0xFFFFC400  }
0xf8: {  	[spmem:s3] =	stream.indirect.scatter.add.f32 [tilespmem:s19], [sflag:$0x6], $0x80, s6, s18, $0xb8;
	[tilespmem:$0x1FC00] =	vst v63  }
0xf9: {  	_ =	swait.ge [sflag:s29], $0x3C00  }
0xfa: {  	[sflag:s29] =	ssyncset.done $0x0  }
0xfb: {  	s7 =	rddreg [dreg:$0x16];
	[sflag:s29] =	ssyncadd.s32 $0xFFFFC400  }
0xfc: {  	[tilespmem:s23], [sflag:$0x3] =	stream.indirect.gather [hbm4b:s1+s18], $0x80, s7, s18, $0xb8;
	[tilespmem:$0x1FC00] =	vst v63  }
0xfd: {  	_ =	swait.ge [sflag:s24], $0x3C00  }
0xfe: {  	[sflag:s24] =	ssyncset.done $0x0  }
0xff: {  	s9 =	rddreg [dreg:$0x17];
	[sflag:s24] =	ssyncadd.s32 $0xFFFFC400  }
0x100: {  	[spmem:s3] =	stream.indirect.scatter.add.f32 [tilespmem:s21], [sflag:$0x7], $0x80, s9, s18, $0xb8;
	[tilespmem:$0x1FC00] =	vst v63  }
0x101: {  	_ =	swait.ge [sflag:s25], $0x3C00  }
0x102: {  	[sflag:s25] =	ssyncset.done $0x0  }
0x103: {  	s5 =	simm.s32 @p1 $0x3;
	[sflag:s25] =	ssyncadd.s32 $0xFFFFC400  }
0x104: {  	_ =	swait.ge @p1 [sflag:s5], $0x3C00  }
0x105: {  	s6 =	simm.s32 @p1 $0x1C000;
	s7 =	simm.s32 @p1 $0x78;
	[sflag:s5] =	ssyncset.done @p1 $0x0  }
0x106: {  	s9 =	simm.s32 @p1 $0x14780;
	[sflag:s5] =	ssyncadd.s32 @p1 $0xFFFFC400;
	s5 =	simm.s32 @p1 $0x7  }
0x107: {  	[spmem:s3] =	stream.indirect.scatter.add.f32 @p1 [tilespmem:s6], [sflag:$0x8], $0x80, s9, s7, $0xb8;
	[tilespmem:$0x1FC00] =	vst v63  }
0x108: {  	_ =	swait.ge @p1 [sflag:s5], $0x3C00  }
0x109: {  	[sflag:s5] =	ssyncset.done @p1 $0x0  }
0x10a: {  	s6 =	simm.s32 @!p1 $0x4;
	[sflag:s5] =	ssyncadd.s32 @p1 $0xFFFFC400  }
0x10b: {  	_ =	swait.ge @!p1 [sflag:s6], $0x600  }
0x10c: {  	s0 =	sadd.s32 $0x1, s0;
	s7 =	simm.s32 @!p1 $0x14800;
	[sflag:s6] =	ssyncset.done @!p1 $0x0  }
0x10d: {  	s5 =	simm.s32 @!p1 $0x78;
	[sflag:s6] =	ssyncadd.s32 @!p1 $0xFFFFFA00;
	s6 =	simm.s32 @!p1 $0x3  }
0x10e: {  	[tilespmem:s7], [sflag:$0x1] =	stream.indirect.gather @!p1 [hbm4b:s1+s5], $0x80, s4, s5, $0xb8;
	[tilespmem:$0x1FC00] =	vst v63  }
0x10f: {  	p0 =	sne.s32 s0, $0xE;
	_ =	swait.ge @!p1 [sflag:s6], $0x3C00  }
.Ltmp0:
0x110: {  	s9 =	simm.s32 @!p1 $0x14780;
	[sflag:s6] =	ssyncset.done @!p1 $0x0;
	(pc) =	sbr.rel @p0 .LBB2_2-.Ltmp0, $4  }
0x111: {  	s7 =	simm.s32 @!p1 $0x1C000;
	s4 =	simm.s32 @!p1 $0x7;
	[sflag:s6] =	ssyncadd.s32 @!p1 $0xFFFFC400  }
0x112: {  	[spmem:s3] =	stream.indirect.scatter.add.f32 @!p1 [tilespmem:s7], [sflag:$0x8], $0x80, s9, s5, $0xb8;
	[tilespmem:$0x1FC00] =	vst v63  }
0x113: {  	s2 =	sadd.s32 $0x180, s2;
	_ =	swait.ge @!p1 [sflag:s4], $0x3C00  }
0x114: {  	s6 =	simm.s32 @!p1 $0x13D00;
	s7 =	simm.s32 @!p1 $0x18400;
	[sflag:s4] =	ssyncset.done @!p1 $0x0  }
0x115: {  	[sflag:s4] =	ssyncadd.s32 @!p1 $0xFFFFC400  }
0x116: {  	[tilespmem:s7], [sflag:$0x2] =	stream.indirect.gather @!p1 [hbm4b:s1+s5], $0x80, s6, s5, $0xb8;
	[tilespmem:$0x1FC00] =	vst v63  }
0x117: {  	_ =	swait.ge [sflag:s29], $0x3C00  }
0x118: {  	[sflag:s29] =	ssyncset.done $0x0  }
0x119: {  	s31 =	sadd.s32 $0x1, s31;
	[sflag:s29] =	ssyncadd.s32 $0xFFFFC400  }
0x11a: {  	p0 =	sne.s32 s31, s10;
	[bflag:$0x0] =	sbarrier.arrive $0xFFFF  }
.Ltmp1:
0x11b: {  	s0 =	rddreg [dreg:$0x1b];
	(pc) =	sbr.rel @p0 .LBB2_1-.Ltmp1, $4  }
0x11c: {  	[hbm:s0], [sflag:s8] =	dma.local [spmem:s15], $0x2780  }
0x11d: {  	_ =	swait.ge [sflag:s16], $0x2780  }
0x11e: {  	[sflag:s16] =	ssyncset.done $0x0  }
0x11f: {  	[sflag:s16] =	ssyncadd.s32 $0xFFFFD880  }
0x120: {  	_ =	sfence.sel $0x180000  }
0x121: {  	[bflag:$0x0] =	sbarrier.arrive $0xFFFF  }
0x122: {  	_ =	strace $0x90000047  }
0x123: {  	s0 =	stileid.u32;
	[bflag:$0x2] =	sbarrier.arrive $0xFFFF  }
0x124: {  	p0 =	sne.s32 s0, $0x0;
	s0 =	rddreg [dreg:$0x3]  }
0x125: {  	s0 =	sadd.s32 @!p0 $0x100000, s0  }
0x126: {  	[sflag:s0] =	ssyncadd.tile.s32 @!p0 $0x1;
	_ =	shalt  }
.Lfunc_end2:
_tile_overlayer_lowered:
.L_overlay_start_2:
0x127: {  	(tag) =	ssettag $0x2  }
0x128: {  	s0 =	rddreg [dreg:$0x0];
	s2 =	stileid.u32  }
0x129: {  	s1 =	rddreg [dreg:$0x1];
	p0 =	sne.s32 s2, $0x0  }
0x12a: {  	s3 =	rddreg [dreg:$0x2];
	[bflag:$0x3] =	sbarrier.arrive $0xFFFF;
	s2 =	simm.s32 @!p0 $0x1C09  }
0x12b: {  	[timem:s3], [sflag:s2] =	dma.local @!p0 [hbm:s0], s1  }
0x12c: {  	s0 =	simm.s32 @!p0 $0x9  }
0x12d: {  	_ =	swait.ge @!p0 [sflag:s0], s1  }
0x12e: {  	s1 =	ssub.s32 @!p0 $0x0, s1;
	[sflag:s0] =	ssyncset.done @!p0 $0x0  }
0x12f: {  	[sflag:s0] =	ssyncadd.s32 @!p0 s1  }
0x130: {  	[bflag:$0x3] =	sbarrier.arrive $0xFFFF  }
0x131: {  	_ =	shalt  }

</sc_bundles>
